<compile_context>
chip_gen: v7x
topology: tpu7x:2x2x1
jax: 0.10.2.dev20260603
libtpu: 0.0.44.dev20260713+nightly
codegen_flags: <defaults>
</compile_context>

<pallas_src>
import functools

import jax
import jax.numpy as jnp
from jax import lax
from jax.experimental import pallas as pl
from jax.experimental.pallas import tpu as pltpu
from jax.experimental.pallas import tpu_sc as plsc

NC = 2
NS = 16
NW = NC * NS
R = 8
A = 4


def _gather_call(b, s, d):
    bw = b // NW
    mesh = plsc.VectorSubcoreMesh(core_axis_name="c", subcore_axis_name="s")
    n_main = s - 2 * A
    assert n_main % R == 0

    @functools.partial(
        pl.kernel,
        mesh=mesh,
        out_type=jax.ShapeDtypeStruct((b, s, d), jnp.float32),
        scratch_types=[
            pltpu.VMEM((s, bw), jnp.int32),
            pltpu.VMEM((R, bw, d), jnp.float32),
            pltpu.SemaphoreType.DMA((R,)),
            pltpu.SemaphoreType.DMA((R,)),
        ],
        compiler_params=pltpu.CompilerParams(use_tc_tiling_on_sc=False),
    )
    def k(idx_hbm, table_hbm, out_hbm, idx_v, rows, gsem, wsem):
        wid = lax.axis_index("s") * NC + lax.axis_index("c")
        b0 = wid * bw
        pltpu.sync_copy(idx_hbm.at[:, pl.ds(b0, bw)], idx_v)

        def start_g(t, buf):
            pltpu.async_copy(table_hbm.at[idx_v.at[t]], rows.at[buf], gsem.at[buf])

        def wait_g(buf):
            pltpu.make_async_copy(
                table_hbm.at[idx_v.at[0]], rows.at[buf], gsem.at[buf]
            ).wait()

        def start_w(t, buf):
            pltpu.async_copy(
                rows.at[buf], out_hbm.at[pl.ds(b0, bw), t], wsem.at[buf]
            )

        def wait_w(buf):
            pltpu.make_async_copy(
                rows.at[buf], out_hbm.at[pl.ds(b0, bw), 0], wsem.at[buf]
            ).wait()

        for t in range(A):
            start_g(t, t)
        for t in range(A):
            start_g(t + A, t + A)
            wait_g(t)
            start_w(t, t)

        @pl.loop(0, n_main // R)
        def body(g):
            t0 = A + R * g
            for i in range(R):
                wait_w(i)
                start_g(t0 + A + i, i)
                sl = (A + i) % R
                wait_g(sl)
                start_w(t0 + i, sl)

        for t in range(s - A, s):
            sl = t % R
            wait_g(sl)
            start_w(t, sl)
        for i in range(R):
            wait_w(i)

    return k


def kernel(token_ids, emb):
    b, s = token_ids.shape
    d = emb.shape[1]
    return _gather_call(b, s, d)(token_ids.T, emb)

# --- scband reference (transcript-rebuilt; emitter-appended) ---
"""Pipeline reference for scband-embedding-7499012899030 (READ-ONLY COPY).

The authoritative reference and input builder live on the scoring server;
editing this copy changes nothing except your own understanding.
"""

import jax, jax.numpy as jnp
import numpy as np

NUM_EMBEDDINGS = 1000000
EMBEDDING_DIM = 64
BATCH = 4096
SEQ_LEN = 200


def setup_inputs(seed: int = 0) -> dict:
    key = jax.random.key(seed)
    k1, k2 = jax.random.split(key)
    token_ids = jax.random.randint(k1, (BATCH, SEQ_LEN), 0, NUM_EMBEDDINGS, dtype=jnp.int64 if jax.config.read('jax_enable_x64') else jnp.int32)
    std = 2.0 / (NUM_EMBEDDINGS + EMBEDDING_DIM)
    emb = jax.random.truncated_normal(k2, -2.0, 2.0, (NUM_EMBEDDINGS, EMBEDDING_DIM), dtype=jnp.float32) * std
    return {"token_ids": token_ids, "emb": emb}


def reference(token_ids, emb):
    # Original torch forward stacks per-batch-row gathers: emb[token_ids[i], :]
    # which is exactly a row-gather of the embedding table.
    return jnp.take(emb, token_ids, axis=0)

if __name__ == "__main__":
    import jax
    _d = setup_inputs()
    print(jax.jit(kernel)(*tuple(_d.values())))

</pallas_src>

<mosaic_0001>
#map = affine_map<(d0, d1) -> (0, 0)>
#map1 = affine_map<(d0, d1) -> (0, 0, 0)>
module attributes {stable_mosaic.version = 14 : i64} {
  func.func @k(%arg0: i32, %arg1: i32, %arg2: memref<200x4096xi32, #tpu.memory_space<hbm>>, %arg3: memref<1000000x64xf32, #tpu.memory_space<hbm>>, %arg4: memref<4096x200x64xf32, #tpu.memory_space<hbm>>, %arg5: memref<200x128xi32, #tpu.memory_space<vmem>>, %arg6: memref<8x128x64xf32, #tpu.memory_space<vmem>>, %arg7: memref<8x!tpu.dma_semaphore, #tpu.memory_space<semaphore_mem>>, %arg8: memref<8x!tpu.dma_semaphore, #tpu.memory_space<semaphore_mem>>) attributes {dimension_semantics = [#tpu.dimension_semantics<core_parallel>, #tpu.dimension_semantics<subcore_parallel>], iteration_bounds = array<i64: 2, 16>, scalar_prefetch = 0 : i64, scratch_operands = 4 : i64, tpu.core_type = #tpu.core_type<sc_vector_subcore>, window_params = [{transform_indices = #map}, {transform_indices = #map}, {transform_indices = #map1}]} {
    %mul3A = arith.constant 2 : i32
    %mul3A_0 = arith.muli %arg1, %mul3A : i32
    %add3A = arith.addi %mul3A_0, %arg0 : i32
    %mul3A_1 = arith.constant 128 : i32
    %mul3A_2 = arith.muli %add3A, %mul3A_1 : i32
    "tpu.region"() ({
      %run_scoped3A = tpu.sem_alloc : memref<!tpu.dma_semaphore, #tpu.memory_space<semaphore_mem>>
      %dma_start3A_549 = arith.constant 0 : i32
      %dma_start3A_550 = tpu.memref_slice %arg2[%dma_start3A_549, %mul3A_2] : memref<200x4096xi32, #tpu.memory_space<hbm>> -> memref<200x128xi32, #tpu.memory_space<hbm>>
      %dma_start3A_551 = arith.constant 0 : i32
      %dma_start3A_552 = tpu.memref_slice %arg2[%dma_start3A_551, %mul3A_2] : memref<200x4096xi32, #tpu.memory_space<hbm>> -> memref<200x128xi32, #tpu.memory_space<hbm>>
      tpu.enqueue_dma source(%dma_start3A_552 : memref<200x128xi32, #tpu.memory_space<hbm>>) target(%arg5 : memref<200x128xi32, #tpu.memory_space<vmem>>) target_semaphore(%run_scoped3A : memref<!tpu.dma_semaphore, #tpu.memory_space<semaphore_mem>>)
      %dma_wait3A_553 = arith.constant 0 : i32
      %dma_wait3A_554 = tpu.memref_slice %arg2[%dma_wait3A_553, %mul3A_2] : memref<200x4096xi32, #tpu.memory_space<hbm>> -> memref<200x128xi32, #tpu.memory_space<hbm>>
      %dma_wait3A_555 = arith.constant 0 : i32
      %dma_wait3A_556 = tpu.memref_slice %arg2[%dma_wait3A_555, %mul3A_2] : memref<200x4096xi32, #tpu.memory_space<hbm>> -> memref<200x128xi32, #tpu.memory_space<hbm>>
      tpu.wait_dma2 semaphore(%run_scoped3A : memref<!tpu.dma_semaphore, #tpu.memory_space<semaphore_mem>>) src(%dma_wait3A_556 : memref<200x128xi32, #tpu.memory_space<hbm>>) dst(%arg5 : memref<200x128xi32, #tpu.memory_space<vmem>>)
      tpu.yield
    }) : () -> ()
    %dma_start3A = arith.constant 0 : i32
    %dma_start3A_3 = arith.constant 0 : i32
    %dma_start3A_4 = arith.constant 0 : i32
    %dma_start3A_5 = arith.constant 0 : i32
    %dma_start3A_6 = arith.constant 0 : i32
    %dma_start3A_7 = tpu.memref_slice %arg6[%dma_start3A_3, %dma_start3A_5, %dma_start3A_6] : memref<8x128x64xf32, #tpu.memory_space<vmem>> -> memref<1x128x64xf32, #tpu.memory_space<vmem>>
    %dma_start3A_8 = tpu.memref_squeeze %dma_start3A_7 : memref<1x128x64xf32, #tpu.memory_space<vmem>> -> memref<128x64xf32, #tpu.memory_space<vmem>>
    %dma_start3A_9 = arith.constant 0 : i32
    %dma_start3A_10 = tpu.memref_slice %arg5[%dma_start3A, %dma_start3A_9] : memref<200x128xi32, #tpu.memory_space<vmem>> -> memref<1x128xi32, #tpu.memory_space<vmem>>
    %dma_start3A_11 = tpu.memref_squeeze %dma_start3A_10 : memref<1x128xi32, #tpu.memory_space<vmem>> -> memref<128xi32, #tpu.memory_space<vmem>>
    %dma_start3A_12 = arith.constant 0 : i32
    %dma_start3A_13 = arith.constant 0 : i32
    %dma_start3A_14 = tpu.memref_slice %arg3[%dma_start3A_12, %dma_start3A_13] : memref<1000000x64xf32, #tpu.memory_space<hbm>> -> memref<1000000x64xf32, #tpu.memory_space<hbm>>
    %dma_start3A_15 = tpu.memref_slice %arg7[%dma_start3A_4] : memref<8x!tpu.dma_semaphore, #tpu.memory_space<semaphore_mem>> -> memref<1x!tpu.dma_semaphore, #tpu.memory_space<semaphore_mem>>
    %dma_start3A_16 = tpu.memref_squeeze %dma_start3A_15 : memref<1x!tpu.dma_semaphore, #tpu.memory_space<semaphore_mem>> -> memref<!tpu.dma_semaphore, #tpu.memory_space<semaphore_mem>>
    tpu.enqueue_indirect_dma source(%dma_start3A_14 : memref<1000000x64xf32, #tpu.memory_space<hbm>>) target(%dma_start3A_8 : memref<128x64xf32, #tpu.memory_space<vmem>>) offsets(%dma_start3A_11 : memref<128xi32, #tpu.memory_space<vmem>>) semaphore(%dma_start3A_16 : memref<!tpu.dma_semaphore, #tpu.memory_space<semaphore_mem>>)
    %dma_start3A_17 = arith.constant 1 : i32
    %dma_start3A_18 = arith.constant 1 : i32
    %dma_start3A_19 = arith.constant 1 : i32
    %dma_start3A_20 = arith.constant 0 : i32
    %dma_start3A_21 = arith.constant 0 : i32
    %dma_start3A_22 = tpu.memref_slice %arg6[%dma_start3A_18, %dma_start3A_20, %dma_start3A_21] : memref<8x128x64xf32, #tpu.memory_space<vmem>> -> memref<1x128x64xf32, #tpu.memory_space<vmem>>
    %dma_start3A_23 = tpu.memref_squeeze %dma_start3A_22 : memref<1x128x64xf32, #tpu.memory_space<vmem>> -> memref<128x64xf32, #tpu.memory_space<vmem>>
    %dma_start3A_24 = arith.constant 0 : i32
    %dma_start3A_25 = tpu.memref_slice %arg5[%dma_start3A_17, %dma_start3A_24] : memref<200x128xi32, #tpu.memory_space<vmem>> -> memref<1x128xi32, #tpu.memory_space<vmem>>
    %dma_start3A_26 = tpu.memref_squeeze %dma_start3A_25 : memref<1x128xi32, #tpu.memory_space<vmem>> -> memref<128xi32, #tpu.memory_space<vmem>>
    %dma_start3A_27 = arith.constant 0 : i32
    %dma_start3A_28 = arith.constant 0 : i32
    %dma_start3A_29 = tpu.memref_slice %arg3[%dma_start3A_27, %dma_start3A_28] : memref<1000000x64xf32, #tpu.memory_space<hbm>> -> memref<1000000x64xf32, #tpu.memory_space<hbm>>
    %dma_start3A_30 = tpu.memref_slice %arg7[%dma_start3A_19] : memref<8x!tpu.dma_semaphore, #tpu.memory_space<semaphore_mem>> -> memref<1x!tpu.dma_semaphore, #tpu.memory_space<semaphore_mem>>
    %dma_start3A_31 = tpu.memref_squeeze %dma_start3A_30 : memref<1x!tpu.dma_semaphore, #tpu.memory_space<semaphore_mem>> -> memref<!tpu.dma_semaphore, #tpu.memory_space<semaphore_mem>>
    tpu.enqueue_indirect_dma source(%dma_start3A_29 : memref<1000000x64xf32, #tpu.memory_space<hbm>>) target(%dma_start3A_23 : memref<128x64xf32, #tpu.memory_space<vmem>>) offsets(%dma_start3A_26 : memref<128xi32, #tpu.memory_space<vmem>>) semaphore(%dma_start3A_31 : memref<!tpu.dma_semaphore, #tpu.memory_space<semaphore_mem>>)
    %dma_start3A_32 = arith.constant 2 : i32
    %dma_start3A_33 = arith.constant 2 : i32
    %dma_start3A_34 = arith.constant 2 : i32
    %dma_start3A_35 = arith.constant 0 : i32
    %dma_start3A_36 = arith.constant 0 : i32
    %dma_start3A_37 = tpu.memref_slice %arg6[%dma_start3A_33, %dma_start3A_35, %dma_start3A_36] : memref<8x128x64xf32, #tpu.memory_space<vmem>> -> memref<1x128x64xf32, #tpu.memory_space<vmem>>
    %dma_start3A_38 = tpu.memref_squeeze %dma_start3A_37 : memref<1x128x64xf32, #tpu.memory_space<vmem>> -> memref<128x64xf32, #tpu.memory_space<vmem>>
    %dma_start3A_39 = arith.constant 0 : i32
    %dma_start3A_40 = tpu.memref_slice %arg5[%dma_start3A_32, %dma_start3A_39] : memref<200x128xi32, #tpu.memory_space<vmem>> -> memref<1x128xi32, #tpu.memory_space<vmem>>
    %dma_start3A_41 = tpu.memref_squeeze %dma_start3A_40 : memref<1x128xi32, #tpu.memory_space<vmem>> -> memref<128xi32, #tpu.memory_space<vmem>>
    %dma_start3A_42 = arith.constant 0 : i32
    %dma_start3A_43 = arith.constant 0 : i32
    %dma_start3A_44 = tpu.memref_slice %arg3[%dma_start3A_42, %dma_start3A_43] : memref<1000000x64xf32, #tpu.memory_space<hbm>> -> memref<1000000x64xf32, #tpu.memory_space<hbm>>
    %dma_start3A_45 = tpu.memref_slice %arg7[%dma_start3A_34] : memref<8x!tpu.dma_semaphore, #tpu.memory_space<semaphore_mem>> -> memref<1x!tpu.dma_semaphore, #tpu.memory_space<semaphore_mem>>
    %dma_start3A_46 = tpu.memref_squeeze %dma_start3A_45 : memref<1x!tpu.dma_semaphore, #tpu.memory_space<semaphore_mem>> -> memref<!tpu.dma_semaphore, #tpu.memory_space<semaphore_mem>>
    tpu.enqueue_indirect_dma source(%dma_start3A_44 : memref<1000000x64xf32, #tpu.memory_space<hbm>>) target(%dma_start3A_38 : memref<128x64xf32, #tpu.memory_space<vmem>>) offsets(%dma_start3A_41 : memref<128xi32, #tpu.memory_space<vmem>>) semaphore(%dma_start3A_46 : memref<!tpu.dma_semaphore, #tpu.memory_space<semaphore_mem>>)
    %dma_start3A_47 = arith.constant 3 : i32
    %dma_start3A_48 = arith.constant 3 : i32
    %dma_start3A_49 = arith.constant 3 : i32
    %dma_start3A_50 = arith.constant 0 : i32
    %dma_start3A_51 = arith.constant 0 : i32
    %dma_start3A_52 = tpu.memref_slice %arg6[%dma_start3A_48, %dma_start3A_50, %dma_start3A_51] : memref<8x128x64xf32, #tpu.memory_space<vmem>> -> memref<1x128x64xf32, #tpu.memory_space<vmem>>
    %dma_start3A_53 = tpu.memref_squeeze %dma_start3A_52 : memref<1x128x64xf32, #tpu.memory_space<vmem>> -> memref<128x64xf32, #tpu.memory_space<vmem>>
    %dma_start3A_54 = arith.constant 0 : i32
    %dma_start3A_55 = tpu.memref_slice %arg5[%dma_start3A_47, %dma_start3A_54] : memref<200x128xi32, #tpu.memory_space<vmem>> -> memref<1x128xi32, #tpu.memory_space<vmem>>
    %dma_start3A_56 = tpu.memref_squeeze %dma_start3A_55 : memref<1x128xi32, #tpu.memory_space<vmem>> -> memref<128xi32, #tpu.memory_space<vmem>>
    %dma_start3A_57 = arith.constant 0 : i32
    %dma_start3A_58 = arith.constant 0 : i32
    %dma_start3A_59 = tpu.memref_slice %arg3[%dma_start3A_57, %dma_start3A_58] : memref<1000000x64xf32, #tpu.memory_space<hbm>> -> memref<1000000x64xf32, #tpu.memory_space<hbm>>
    %dma_start3A_60 = tpu.memref_slice %arg7[%dma_start3A_49] : memref<8x!tpu.dma_semaphore, #tpu.memory_space<semaphore_mem>> -> memref<1x!tpu.dma_semaphore, #tpu.memory_space<semaphore_mem>>
    %dma_start3A_61 = tpu.memref_squeeze %dma_start3A_60 : memref<1x!tpu.dma_semaphore, #tpu.memory_space<semaphore_mem>> -> memref<!tpu.dma_semaphore, #tpu.memory_space<semaphore_mem>>
    tpu.enqueue_indirect_dma source(%dma_start3A_59 : memref<1000000x64xf32, #tpu.memory_space<hbm>>) target(%dma_start3A_53 : memref<128x64xf32, #tpu.memory_space<vmem>>) offsets(%dma_start3A_56 : memref<128xi32, #tpu.memory_space<vmem>>) semaphore(%dma_start3A_61 : memref<!tpu.dma_semaphore, #tpu.memory_space<semaphore_mem>>)
    %dma_start3A_62 = arith.constant 4 : i32
    %dma_start3A_63 = arith.constant 4 : i32
    %dma_start3A_64 = arith.constant 4 : i32
    %dma_start3A_65 = arith.constant 0 : i32
    %dma_start3A_66 = arith.constant 0 : i32
    %dma_start3A_67 = tpu.memref_slice %arg6[%dma_start3A_63, %dma_start3A_65, %dma_start3A_66] : memref<8x128x64xf32, #tpu.memory_space<vmem>> -> memref<1x128x64xf32, #tpu.memory_space<vmem>>
    %dma_start3A_68 = tpu.memref_squeeze %dma_start3A_67 : memref<1x128x64xf32, #tpu.memory_space<vmem>> -> memref<128x64xf32, #tpu.memory_space<vmem>>
    %dma_start3A_69 = arith.constant 0 : i32
    %dma_start3A_70 = tpu.memref_slice %arg5[%dma_start3A_62, %dma_start3A_69] : memref<200x128xi32, #tpu.memory_space<vmem>> -> memref<1x128xi32, #tpu.memory_space<vmem>>
    %dma_start3A_71 = tpu.memref_squeeze %dma_start3A_70 : memref<1x128xi32, #tpu.memory_space<vmem>> -> memref<128xi32, #tpu.memory_space<vmem>>
    %dma_start3A_72 = arith.constant 0 : i32
    %dma_start3A_73 = arith.constant 0 : i32
    %dma_start3A_74 = tpu.memref_slice %arg3[%dma_start3A_72, %dma_start3A_73] : memref<1000000x64xf32, #tpu.memory_space<hbm>> -> memref<1000000x64xf32, #tpu.memory_space<hbm>>
    %dma_start3A_75 = tpu.memref_slice %arg7[%dma_start3A_64] : memref<8x!tpu.dma_semaphore, #tpu.memory_space<semaphore_mem>> -> memref<1x!tpu.dma_semaphore, #tpu.memory_space<semaphore_mem>>
    %dma_start3A_76 = tpu.memref_squeeze %dma_start3A_75 : memref<1x!tpu.dma_semaphore, #tpu.memory_space<semaphore_mem>> -> memref<!tpu.dma_semaphore, #tpu.memory_space<semaphore_mem>>
    tpu.enqueue_indirect_dma source(%dma_start3A_74 : memref<1000000x64xf32, #tpu.memory_space<hbm>>) target(%dma_start3A_68 : memref<128x64xf32, #tpu.memory_space<vmem>>) offsets(%dma_start3A_71 : memref<128xi32, #tpu.memory_space<vmem>>) semaphore(%dma_start3A_76 : memref<!tpu.dma_semaphore, #tpu.memory_space<semaphore_mem>>)
    %dma_wait3A = arith.constant 0 : i32
    %dma_wait3A_77 = arith.constant 0 : i32
    %dma_wait3A_78 = arith.constant 0 : i32
    %dma_wait3A_79 = arith.constant 0 : i32
    %dma_wait3A_80 = arith.constant 0 : i32
    %dma_wait3A_81 = tpu.memref_slice %arg6[%dma_wait3A_77, %dma_wait3A_79, %dma_wait3A_80] : memref<8x128x64xf32, #tpu.memory_space<vmem>> -> memref<1x128x64xf32, #tpu.memory_space<vmem>>
    %dma_wait3A_82 = tpu.memref_squeeze %dma_wait3A_81 : memref<1x128x64xf32, #tpu.memory_space<vmem>> -> memref<128x64xf32, #tpu.memory_space<vmem>>
    %dma_wait3A_83 = arith.constant 0 : i32
    %dma_wait3A_84 = tpu.memref_slice %arg5[%dma_wait3A, %dma_wait3A_83] : memref<200x128xi32, #tpu.memory_space<vmem>> -> memref<1x128xi32, #tpu.memory_space<vmem>>
    %dma_wait3A_85 = tpu.memref_squeeze %dma_wait3A_84 : memref<1x128xi32, #tpu.memory_space<vmem>> -> memref<128xi32, #tpu.memory_space<vmem>>
    %dma_wait3A_86 = arith.constant 0 : i32
    %dma_wait3A_87 = arith.constant 0 : i32
    %dma_wait3A_88 = tpu.memref_slice %arg3[%dma_wait3A_86, %dma_wait3A_87] : memref<1000000x64xf32, #tpu.memory_space<hbm>> -> memref<1000000x64xf32, #tpu.memory_space<hbm>>
    %dma_wait3A_89 = tpu.memref_slice %arg7[%dma_wait3A_78] : memref<8x!tpu.dma_semaphore, #tpu.memory_space<semaphore_mem>> -> memref<1x!tpu.dma_semaphore, #tpu.memory_space<semaphore_mem>>
    %dma_wait3A_90 = tpu.memref_squeeze %dma_wait3A_89 : memref<1x!tpu.dma_semaphore, #tpu.memory_space<semaphore_mem>> -> memref<!tpu.dma_semaphore, #tpu.memory_space<semaphore_mem>>
    tpu.wait_indirect_dma semaphore(%dma_wait3A_90 : memref<!tpu.dma_semaphore, #tpu.memory_space<semaphore_mem>>) src(%dma_wait3A_88 : memref<1000000x64xf32, #tpu.memory_space<hbm>>) dst(%dma_wait3A_82 : memref<128x64xf32, #tpu.memory_space<vmem>>)
    %dma_start3A_91 = arith.constant 0 : i32
    %dma_start3A_92 = arith.constant 0 : i32
    %dma_start3A_93 = arith.constant 0 : i32
    %dma_start3A_94 = arith.constant 0 : i32
    %dma_start3A_95 = arith.constant 0 : i32
    %dma_start3A_96 = tpu.memref_slice %arg6[%dma_start3A_91, %dma_start3A_94, %dma_start3A_95] : memref<8x128x64xf32, #tpu.memory_space<vmem>> -> memref<1x128x64xf32, #tpu.memory_space<vmem>>
    %dma_start3A_97 = tpu.memref_squeeze %dma_start3A_96 : memref<1x128x64xf32, #tpu.memory_space<vmem>> -> memref<128x64xf32, #tpu.memory_space<vmem>>
    %dma_start3A_98 = arith.constant 0 : i32
    %dma_start3A_99 = tpu.memref_slice %arg4[%mul3A_2, %dma_start3A_92, %dma_start3A_98] : memref<4096x200x64xf32, #tpu.memory_space<hbm>> -> memref<128x1x64xf32, #tpu.memory_space<hbm>>
    %dma_start3A_100 = tpu.memref_squeeze %dma_start3A_99 : memref<128x1x64xf32, #tpu.memory_space<hbm>> -> memref<128x64xf32, #tpu.memory_space<hbm>>
    %dma_start3A_101 = tpu.memref_slice %arg8[%dma_start3A_93] : memref<8x!tpu.dma_semaphore, #tpu.memory_space<semaphore_mem>> -> memref<1x!tpu.dma_semaphore, #tpu.memory_space<semaphore_mem>>
    %dma_start3A_102 = tpu.memref_squeeze %dma_start3A_101 : memref<1x!tpu.dma_semaphore, #tpu.memory_space<semaphore_mem>> -> memref<!tpu.dma_semaphore, #tpu.memory_space<semaphore_mem>>
    %dma_start3A_103 = arith.constant 0 : i32
    %dma_start3A_104 = tpu.memref_slice %arg4[%mul3A_2, %dma_start3A_92, %dma_start3A_103] : memref<4096x200x64xf32, #tpu.memory_space<hbm>> -> memref<128x1x64xf32, #tpu.memory_space<hbm>>
    %dma_start3A_105 = tpu.memref_squeeze %dma_start3A_104 : memref<128x1x64xf32, #tpu.memory_space<hbm>> -> memref<128x64xf32, #tpu.memory_space<hbm>>
    %dma_start3A_106 = arith.constant 0 : i32
    %dma_start3A_107 = arith.constant 0 : i32
    %dma_start3A_108 = tpu.memref_slice %arg6[%dma_start3A_91, %dma_start3A_106, %dma_start3A_107] : memref<8x128x64xf32, #tpu.memory_space<vmem>> -> memref<1x128x64xf32, #tpu.memory_space<vmem>>
    %dma_start3A_109 = tpu.memref_squeeze %dma_start3A_108 : memref<1x128x64xf32, #tpu.memory_space<vmem>> -> memref<128x64xf32, #tpu.memory_space<vmem>>
    tpu.enqueue_dma source(%dma_start3A_109 : memref<128x64xf32, #tpu.memory_space<vmem>>) target(%dma_start3A_105 : memref<128x64xf32, #tpu.memory_space<hbm>>) target_semaphore(%dma_start3A_102 : memref<!tpu.dma_semaphore, #tpu.memory_space<semaphore_mem>>)
    %dma_start3A_110 = arith.constant 5 : i32
    %dma_start3A_111 = arith.constant 5 : i32
    %dma_start3A_112 = arith.constant 5 : i32
    %dma_start3A_113 = arith.constant 0 : i32
    %dma_start3A_114 = arith.constant 0 : i32
    %dma_start3A_115 = tpu.memref_slice %arg6[%dma_start3A_111, %dma_start3A_113, %dma_start3A_114] : memref<8x128x64xf32, #tpu.memory_space<vmem>> -> memref<1x128x64xf32, #tpu.memory_space<vmem>>
    %dma_start3A_116 = tpu.memref_squeeze %dma_start3A_115 : memref<1x128x64xf32, #tpu.memory_space<vmem>> -> memref<128x64xf32, #tpu.memory_space<vmem>>
    %dma_start3A_117 = arith.constant 0 : i32
    %dma_start3A_118 = tpu.memref_slice %arg5[%dma_start3A_110, %dma_start3A_117] : memref<200x128xi32, #tpu.memory_space<vmem>> -> memref<1x128xi32, #tpu.memory_space<vmem>>
    %dma_start3A_119 = tpu.memref_squeeze %dma_start3A_118 : memref<1x128xi32, #tpu.memory_space<vmem>> -> memref<128xi32, #tpu.memory_space<vmem>>
    %dma_start3A_120 = arith.constant 0 : i32
    %dma_start3A_121 = arith.constant 0 : i32
    %dma_start3A_122 = tpu.memref_slice %arg3[%dma_start3A_120, %dma_start3A_121] : memref<1000000x64xf32, #tpu.memory_space<hbm>> -> memref<1000000x64xf32, #tpu.memory_space<hbm>>
    %dma_start3A_123 = tpu.memref_slice %arg7[%dma_start3A_112] : memref<8x!tpu.dma_semaphore, #tpu.memory_space<semaphore_mem>> -> memref<1x!tpu.dma_semaphore, #tpu.memory_space<semaphore_mem>>
    %dma_start3A_124 = tpu.memref_squeeze %dma_start3A_123 : memref<1x!tpu.dma_semaphore, #tpu.memory_space<semaphore_mem>> -> memref<!tpu.dma_semaphore, #tpu.memory_space<semaphore_mem>>
    tpu.enqueue_indirect_dma source(%dma_start3A_122 : memref<1000000x64xf32, #tpu.memory_space<hbm>>) target(%dma_start3A_116 : memref<128x64xf32, #tpu.memory_space<vmem>>) offsets(%dma_start3A_119 : memref<128xi32, #tpu.memory_space<vmem>>) semaphore(%dma_start3A_124 : memref<!tpu.dma_semaphore, #tpu.memory_space<semaphore_mem>>)
    %dma_wait3A_125 = arith.constant 0 : i32
    %dma_wait3A_126 = arith.constant 1 : i32
    %dma_wait3A_127 = arith.constant 1 : i32
    %dma_wait3A_128 = arith.constant 0 : i32
    %dma_wait3A_129 = arith.constant 0 : i32
    %dma_wait3A_130 = tpu.memref_slice %arg6[%dma_wait3A_126, %dma_wait3A_128, %dma_wait3A_129] : memref<8x128x64xf32, #tpu.memory_space<vmem>> -> memref<1x128x64xf32, #tpu.memory_space<vmem>>
    %dma_wait3A_131 = tpu.memref_squeeze %dma_wait3A_130 : memref<1x128x64xf32, #tpu.memory_space<vmem>> -> memref<128x64xf32, #tpu.memory_space<vmem>>
    %dma_wait3A_132 = arith.constant 0 : i32
    %dma_wait3A_133 = tpu.memref_slice %arg5[%dma_wait3A_125, %dma_wait3A_132] : memref<200x128xi32, #tpu.memory_space<vmem>> -> memref<1x128xi32, #tpu.memory_space<vmem>>
    %dma_wait3A_134 = tpu.memref_squeeze %dma_wait3A_133 : memref<1x128xi32, #tpu.memory_space<vmem>> -> memref<128xi32, #tpu.memory_space<vmem>>
    %dma_wait3A_135 = arith.constant 0 : i32
    %dma_wait3A_136 = arith.constant 0 : i32
    %dma_wait3A_137 = tpu.memref_slice %arg3[%dma_wait3A_135, %dma_wait3A_136] : memref<1000000x64xf32, #tpu.memory_space<hbm>> -> memref<1000000x64xf32, #tpu.memory_space<hbm>>
    %dma_wait3A_138 = tpu.memref_slice %arg7[%dma_wait3A_127] : memref<8x!tpu.dma_semaphore, #tpu.memory_space<semaphore_mem>> -> memref<1x!tpu.dma_semaphore, #tpu.memory_space<semaphore_mem>>
    %dma_wait3A_139 = tpu.memref_squeeze %dma_wait3A_138 : memref<1x!tpu.dma_semaphore, #tpu.memory_space<semaphore_mem>> -> memref<!tpu.dma_semaphore, #tpu.memory_space<semaphore_mem>>
    tpu.wait_indirect_dma semaphore(%dma_wait3A_139 : memref<!tpu.dma_semaphore, #tpu.memory_space<semaphore_mem>>) src(%dma_wait3A_137 : memref<1000000x64xf32, #tpu.memory_space<hbm>>) dst(%dma_wait3A_131 : memref<128x64xf32, #tpu.memory_space<vmem>>)
    %dma_start3A_140 = arith.constant 1 : i32
    %dma_start3A_141 = arith.constant 1 : i32
    %dma_start3A_142 = arith.constant 1 : i32
    %dma_start3A_143 = arith.constant 0 : i32
    %dma_start3A_144 = arith.constant 0 : i32
    %dma_start3A_145 = tpu.memref_slice %arg6[%dma_start3A_140, %dma_start3A_143, %dma_start3A_144] : memref<8x128x64xf32, #tpu.memory_space<vmem>> -> memref<1x128x64xf32, #tpu.memory_space<vmem>>
    %dma_start3A_146 = tpu.memref_squeeze %dma_start3A_145 : memref<1x128x64xf32, #tpu.memory_space<vmem>> -> memref<128x64xf32, #tpu.memory_space<vmem>>
    %dma_start3A_147 = arith.constant 0 : i32
    %dma_start3A_148 = tpu.memref_slice %arg4[%mul3A_2, %dma_start3A_141, %dma_start3A_147] : memref<4096x200x64xf32, #tpu.memory_space<hbm>> -> memref<128x1x64xf32, #tpu.memory_space<hbm>>
    %dma_start3A_149 = tpu.memref_squeeze %dma_start3A_148 : memref<128x1x64xf32, #tpu.memory_space<hbm>> -> memref<128x64xf32, #tpu.memory_space<hbm>>
    %dma_start3A_150 = tpu.memref_slice %arg8[%dma_start3A_142] : memref<8x!tpu.dma_semaphore, #tpu.memory_space<semaphore_mem>> -> memref<1x!tpu.dma_semaphore, #tpu.memory_space<semaphore_mem>>
    %dma_start3A_151 = tpu.memref_squeeze %dma_start3A_150 : memref<1x!tpu.dma_semaphore, #tpu.memory_space<semaphore_mem>> -> memref<!tpu.dma_semaphore, #tpu.memory_space<semaphore_mem>>
    %dma_start3A_152 = arith.constant 0 : i32
    %dma_start3A_153 = tpu.memref_slice %arg4[%mul3A_2, %dma_start3A_141, %dma_start3A_152] : memref<4096x200x64xf32, #tpu.memory_space<hbm>> -> memref<128x1x64xf32, #tpu.memory_space<hbm>>
    %dma_start3A_154 = tpu.memref_squeeze %dma_start3A_153 : memref<128x1x64xf32, #tpu.memory_space<hbm>> -> memref<128x64xf32, #tpu.memory_space<hbm>>
    %dma_start3A_155 = arith.constant 0 : i32
    %dma_start3A_156 = arith.constant 0 : i32
    %dma_start3A_157 = tpu.memref_slice %arg6[%dma_start3A_140, %dma_start3A_155, %dma_start3A_156] : memref<8x128x64xf32, #tpu.memory_space<vmem>> -> memref<1x128x64xf32, #tpu.memory_space<vmem>>
    %dma_start3A_158 = tpu.memref_squeeze %dma_start3A_157 : memref<1x128x64xf32, #tpu.memory_space<vmem>> -> memref<128x64xf32, #tpu.memory_space<vmem>>
    tpu.enqueue_dma source(%dma_start3A_158 : memref<128x64xf32, #tpu.memory_space<vmem>>) target(%dma_start3A_154 : memref<128x64xf32, #tpu.memory_space<hbm>>) target_semaphore(%dma_start3A_151 : memref<!tpu.dma_semaphore, #tpu.memory_space<semaphore_mem>>)
    %dma_start3A_159 = arith.constant 6 : i32
    %dma_start3A_160 = arith.constant 6 : i32
    %dma_start3A_161 = arith.constant 6 : i32
    %dma_start3A_162 = arith.constant 0 : i32
    %dma_start3A_163 = arith.constant 0 : i32
    %dma_start3A_164 = tpu.memref_slice %arg6[%dma_start3A_160, %dma_start3A_162, %dma_start3A_163] : memref<8x128x64xf32, #tpu.memory_space<vmem>> -> memref<1x128x64xf32, #tpu.memory_space<vmem>>
    %dma_start3A_165 = tpu.memref_squeeze %dma_start3A_164 : memref<1x128x64xf32, #tpu.memory_space<vmem>> -> memref<128x64xf32, #tpu.memory_space<vmem>>
    %dma_start3A_166 = arith.constant 0 : i32
    %dma_start3A_167 = tpu.memref_slice %arg5[%dma_start3A_159, %dma_start3A_166] : memref<200x128xi32, #tpu.memory_space<vmem>> -> memref<1x128xi32, #tpu.memory_space<vmem>>
    %dma_start3A_168 = tpu.memref_squeeze %dma_start3A_167 : memref<1x128xi32, #tpu.memory_space<vmem>> -> memref<128xi32, #tpu.memory_space<vmem>>
    %dma_start3A_169 = arith.constant 0 : i32
    %dma_start3A_170 = arith.constant 0 : i32
    %dma_start3A_171 = tpu.memref_slice %arg3[%dma_start3A_169, %dma_start3A_170] : memref<1000000x64xf32, #tpu.memory_space<hbm>> -> memref<1000000x64xf32, #tpu.memory_space<hbm>>
    %dma_start3A_172 = tpu.memref_slice %arg7[%dma_start3A_161] : memref<8x!tpu.dma_semaphore, #tpu.memory_space<semaphore_mem>> -> memref<1x!tpu.dma_semaphore, #tpu.memory_space<semaphore_mem>>
    %dma_start3A_173 = tpu.memref_squeeze %dma_start3A_172 : memref<1x!tpu.dma_semaphore, #tpu.memory_space<semaphore_mem>> -> memref<!tpu.dma_semaphore, #tpu.memory_space<semaphore_mem>>
    tpu.enqueue_indirect_dma source(%dma_start3A_171 : memref<1000000x64xf32, #tpu.memory_space<hbm>>) target(%dma_start3A_165 : memref<128x64xf32, #tpu.memory_space<vmem>>) offsets(%dma_start3A_168 : memref<128xi32, #tpu.memory_space<vmem>>) semaphore(%dma_start3A_173 : memref<!tpu.dma_semaphore, #tpu.memory_space<semaphore_mem>>)
    %dma_wait3A_174 = arith.constant 0 : i32
    %dma_wait3A_175 = arith.constant 2 : i32
    %dma_wait3A_176 = arith.constant 2 : i32
    %dma_wait3A_177 = arith.constant 0 : i32
    %dma_wait3A_178 = arith.constant 0 : i32
    %dma_wait3A_179 = tpu.memref_slice %arg6[%dma_wait3A_175, %dma_wait3A_177, %dma_wait3A_178] : memref<8x128x64xf32, #tpu.memory_space<vmem>> -> memref<1x128x64xf32, #tpu.memory_space<vmem>>
    %dma_wait3A_180 = tpu.memref_squeeze %dma_wait3A_179 : memref<1x128x64xf32, #tpu.memory_space<vmem>> -> memref<128x64xf32, #tpu.memory_space<vmem>>
    %dma_wait3A_181 = arith.constant 0 : i32
    %dma_wait3A_182 = tpu.memref_slice %arg5[%dma_wait3A_174, %dma_wait3A_181] : memref<200x128xi32, #tpu.memory_space<vmem>> -> memref<1x128xi32, #tpu.memory_space<vmem>>
    %dma_wait3A_183 = tpu.memref_squeeze %dma_wait3A_182 : memref<1x128xi32, #tpu.memory_space<vmem>> -> memref<128xi32, #tpu.memory_space<vmem>>
    %dma_wait3A_184 = arith.constant 0 : i32
    %dma_wait3A_185 = arith.constant 0 : i32
    %dma_wait3A_186 = tpu.memref_slice %arg3[%dma_wait3A_184, %dma_wait3A_185] : memref<1000000x64xf32, #tpu.memory_space<hbm>> -> memref<1000000x64xf32, #tpu.memory_space<hbm>>
    %dma_wait3A_187 = tpu.memref_slice %arg7[%dma_wait3A_176] : memref<8x!tpu.dma_semaphore, #tpu.memory_space<semaphore_mem>> -> memref<1x!tpu.dma_semaphore, #tpu.memory_space<semaphore_mem>>
    %dma_wait3A_188 = tpu.memref_squeeze %dma_wait3A_187 : memref<1x!tpu.dma_semaphore, #tpu.memory_space<semaphore_mem>> -> memref<!tpu.dma_semaphore, #tpu.memory_space<semaphore_mem>>
    tpu.wait_indirect_dma semaphore(%dma_wait3A_188 : memref<!tpu.dma_semaphore, #tpu.memory_space<semaphore_mem>>) src(%dma_wait3A_186 : memref<1000000x64xf32, #tpu.memory_space<hbm>>) dst(%dma_wait3A_180 : memref<128x64xf32, #tpu.memory_space<vmem>>)
    %dma_start3A_189 = arith.constant 2 : i32
    %dma_start3A_190 = arith.constant 2 : i32
    %dma_start3A_191 = arith.constant 2 : i32
    %dma_start3A_192 = arith.constant 0 : i32
    %dma_start3A_193 = arith.constant 0 : i32
    %dma_start3A_194 = tpu.memref_slice %arg6[%dma_start3A_189, %dma_start3A_192, %dma_start3A_193] : memref<8x128x64xf32, #tpu.memory_space<vmem>> -> memref<1x128x64xf32, #tpu.memory_space<vmem>>
    %dma_start3A_195 = tpu.memref_squeeze %dma_start3A_194 : memref<1x128x64xf32, #tpu.memory_space<vmem>> -> memref<128x64xf32, #tpu.memory_space<vmem>>
    %dma_start3A_196 = arith.constant 0 : i32
    %dma_start3A_197 = tpu.memref_slice %arg4[%mul3A_2, %dma_start3A_190, %dma_start3A_196] : memref<4096x200x64xf32, #tpu.memory_space<hbm>> -> memref<128x1x64xf32, #tpu.memory_space<hbm>>
    %dma_start3A_198 = tpu.memref_squeeze %dma_start3A_197 : memref<128x1x64xf32, #tpu.memory_space<hbm>> -> memref<128x64xf32, #tpu.memory_space<hbm>>
    %dma_start3A_199 = tpu.memref_slice %arg8[%dma_start3A_191] : memref<8x!tpu.dma_semaphore, #tpu.memory_space<semaphore_mem>> -> memref<1x!tpu.dma_semaphore, #tpu.memory_space<semaphore_mem>>
    %dma_start3A_200 = tpu.memref_squeeze %dma_start3A_199 : memref<1x!tpu.dma_semaphore, #tpu.memory_space<semaphore_mem>> -> memref<!tpu.dma_semaphore, #tpu.memory_space<semaphore_mem>>
    %dma_start3A_201 = arith.constant 0 : i32
    %dma_start3A_202 = tpu.memref_slice %arg4[%mul3A_2, %dma_start3A_190, %dma_start3A_201] : memref<4096x200x64xf32, #tpu.memory_space<hbm>> -> memref<128x1x64xf32, #tpu.memory_space<hbm>>
    %dma_start3A_203 = tpu.memref_squeeze %dma_start3A_202 : memref<128x1x64xf32, #tpu.memory_space<hbm>> -> memref<128x64xf32, #tpu.memory_space<hbm>>
    %dma_start3A_204 = arith.constant 0 : i32
    %dma_start3A_205 = arith.constant 0 : i32
    %dma_start3A_206 = tpu.memref_slice %arg6[%dma_start3A_189, %dma_start3A_204, %dma_start3A_205] : memref<8x128x64xf32, #tpu.memory_space<vmem>> -> memref<1x128x64xf32, #tpu.memory_space<vmem>>
    %dma_start3A_207 = tpu.memref_squeeze %dma_start3A_206 : memref<1x128x64xf32, #tpu.memory_space<vmem>> -> memref<128x64xf32, #tpu.memory_space<vmem>>
    tpu.enqueue_dma source(%dma_start3A_207 : memref<128x64xf32, #tpu.memory_space<vmem>>) target(%dma_start3A_203 : memref<128x64xf32, #tpu.memory_space<hbm>>) target_semaphore(%dma_start3A_200 : memref<!tpu.dma_semaphore, #tpu.memory_space<semaphore_mem>>)
    %dma_start3A_208 = arith.constant 7 : i32
    %dma_start3A_209 = arith.constant 7 : i32
    %dma_start3A_210 = arith.constant 7 : i32
    %dma_start3A_211 = arith.constant 0 : i32
    %dma_start3A_212 = arith.constant 0 : i32
    %dma_start3A_213 = tpu.memref_slice %arg6[%dma_start3A_209, %dma_start3A_211, %dma_start3A_212] : memref<8x128x64xf32, #tpu.memory_space<vmem>> -> memref<1x128x64xf32, #tpu.memory_space<vmem>>
    %dma_start3A_214 = tpu.memref_squeeze %dma_start3A_213 : memref<1x128x64xf32, #tpu.memory_space<vmem>> -> memref<128x64xf32, #tpu.memory_space<vmem>>
    %dma_start3A_215 = arith.constant 0 : i32
    %dma_start3A_216 = tpu.memref_slice %arg5[%dma_start3A_208, %dma_start3A_215] : memref<200x128xi32, #tpu.memory_space<vmem>> -> memref<1x128xi32, #tpu.memory_space<vmem>>
    %dma_start3A_217 = tpu.memref_squeeze %dma_start3A_216 : memref<1x128xi32, #tpu.memory_space<vmem>> -> memref<128xi32, #tpu.memory_space<vmem>>
    %dma_start3A_218 = arith.constant 0 : i32
    %dma_start3A_219 = arith.constant 0 : i32
    %dma_start3A_220 = tpu.memref_slice %arg3[%dma_start3A_218, %dma_start3A_219] : memref<1000000x64xf32, #tpu.memory_space<hbm>> -> memref<1000000x64xf32, #tpu.memory_space<hbm>>
    %dma_start3A_221 = tpu.memref_slice %arg7[%dma_start3A_210] : memref<8x!tpu.dma_semaphore, #tpu.memory_space<semaphore_mem>> -> memref<1x!tpu.dma_semaphore, #tpu.memory_space<semaphore_mem>>
    %dma_start3A_222 = tpu.memref_squeeze %dma_start3A_221 : memref<1x!tpu.dma_semaphore, #tpu.memory_space<semaphore_mem>> -> memref<!tpu.dma_semaphore, #tpu.memory_space<semaphore_mem>>
    tpu.enqueue_indirect_dma source(%dma_start3A_220 : memref<1000000x64xf32, #tpu.memory_space<hbm>>) target(%dma_start3A_214 : memref<128x64xf32, #tpu.memory_space<vmem>>) offsets(%dma_start3A_217 : memref<128xi32, #tpu.memory_space<vmem>>) semaphore(%dma_start3A_222 : memref<!tpu.dma_semaphore, #tpu.memory_space<semaphore_mem>>)
    %dma_wait3A_223 = arith.constant 0 : i32
    %dma_wait3A_224 = arith.constant 3 : i32
    %dma_wait3A_225 = arith.constant 3 : i32
    %dma_wait3A_226 = arith.constant 0 : i32
    %dma_wait3A_227 = arith.constant 0 : i32
    %dma_wait3A_228 = tpu.memref_slice %arg6[%dma_wait3A_224, %dma_wait3A_226, %dma_wait3A_227] : memref<8x128x64xf32, #tpu.memory_space<vmem>> -> memref<1x128x64xf32, #tpu.memory_space<vmem>>
    %dma_wait3A_229 = tpu.memref_squeeze %dma_wait3A_228 : memref<1x128x64xf32, #tpu.memory_space<vmem>> -> memref<128x64xf32, #tpu.memory_space<vmem>>
    %dma_wait3A_230 = arith.constant 0 : i32
    %dma_wait3A_231 = tpu.memref_slice %arg5[%dma_wait3A_223, %dma_wait3A_230] : memref<200x128xi32, #tpu.memory_space<vmem>> -> memref<1x128xi32, #tpu.memory_space<vmem>>
    %dma_wait3A_232 = tpu.memref_squeeze %dma_wait3A_231 : memref<1x128xi32, #tpu.memory_space<vmem>> -> memref<128xi32, #tpu.memory_space<vmem>>
    %dma_wait3A_233 = arith.constant 0 : i32
    %dma_wait3A_234 = arith.constant 0 : i32
    %dma_wait3A_235 = tpu.memref_slice %arg3[%dma_wait3A_233, %dma_wait3A_234] : memref<1000000x64xf32, #tpu.memory_space<hbm>> -> memref<1000000x64xf32, #tpu.memory_space<hbm>>
    %dma_wait3A_236 = tpu.memref_slice %arg7[%dma_wait3A_225] : memref<8x!tpu.dma_semaphore, #tpu.memory_space<semaphore_mem>> -> memref<1x!tpu.dma_semaphore, #tpu.memory_space<semaphore_mem>>
    %dma_wait3A_237 = tpu.memref_squeeze %dma_wait3A_236 : memref<1x!tpu.dma_semaphore, #tpu.memory_space<semaphore_mem>> -> memref<!tpu.dma_semaphore, #tpu.memory_space<semaphore_mem>>
    tpu.wait_indirect_dma semaphore(%dma_wait3A_237 : memref<!tpu.dma_semaphore, #tpu.memory_space<semaphore_mem>>) src(%dma_wait3A_235 : memref<1000000x64xf32, #tpu.memory_space<hbm>>) dst(%dma_wait3A_229 : memref<128x64xf32, #tpu.memory_space<vmem>>)
    %dma_start3A_238 = arith.constant 3 : i32
    %dma_start3A_239 = arith.constant 3 : i32
    %dma_start3A_240 = arith.constant 3 : i32
    %dma_start3A_241 = arith.constant 0 : i32
    %dma_start3A_242 = arith.constant 0 : i32
    %dma_start3A_243 = tpu.memref_slice %arg6[%dma_start3A_238, %dma_start3A_241, %dma_start3A_242] : memref<8x128x64xf32, #tpu.memory_space<vmem>> -> memref<1x128x64xf32, #tpu.memory_space<vmem>>
    %dma_start3A_244 = tpu.memref_squeeze %dma_start3A_243 : memref<1x128x64xf32, #tpu.memory_space<vmem>> -> memref<128x64xf32, #tpu.memory_space<vmem>>
    %dma_start3A_245 = arith.constant 0 : i32
    %dma_start3A_246 = tpu.memref_slice %arg4[%mul3A_2, %dma_start3A_239, %dma_start3A_245] : memref<4096x200x64xf32, #tpu.memory_space<hbm>> -> memref<128x1x64xf32, #tpu.memory_space<hbm>>
    %dma_start3A_247 = tpu.memref_squeeze %dma_start3A_246 : memref<128x1x64xf32, #tpu.memory_space<hbm>> -> memref<128x64xf32, #tpu.memory_space<hbm>>
    %dma_start3A_248 = tpu.memref_slice %arg8[%dma_start3A_240] : memref<8x!tpu.dma_semaphore, #tpu.memory_space<semaphore_mem>> -> memref<1x!tpu.dma_semaphore, #tpu.memory_space<semaphore_mem>>
    %dma_start3A_249 = tpu.memref_squeeze %dma_start3A_248 : memref<1x!tpu.dma_semaphore, #tpu.memory_space<semaphore_mem>> -> memref<!tpu.dma_semaphore, #tpu.memory_space<semaphore_mem>>
    %dma_start3A_250 = arith.constant 0 : i32
    %dma_start3A_251 = tpu.memref_slice %arg4[%mul3A_2, %dma_start3A_239, %dma_start3A_250] : memref<4096x200x64xf32, #tpu.memory_space<hbm>> -> memref<128x1x64xf32, #tpu.memory_space<hbm>>
    %dma_start3A_252 = tpu.memref_squeeze %dma_start3A_251 : memref<128x1x64xf32, #tpu.memory_space<hbm>> -> memref<128x64xf32, #tpu.memory_space<hbm>>
    %dma_start3A_253 = arith.constant 0 : i32
    %dma_start3A_254 = arith.constant 0 : i32
    %dma_start3A_255 = tpu.memref_slice %arg6[%dma_start3A_238, %dma_start3A_253, %dma_start3A_254] : memref<8x128x64xf32, #tpu.memory_space<vmem>> -> memref<1x128x64xf32, #tpu.memory_space<vmem>>
    %dma_start3A_256 = tpu.memref_squeeze %dma_start3A_255 : memref<1x128x64xf32, #tpu.memory_space<vmem>> -> memref<128x64xf32, #tpu.memory_space<vmem>>
    tpu.enqueue_dma source(%dma_start3A_256 : memref<128x64xf32, #tpu.memory_space<vmem>>) target(%dma_start3A_252 : memref<128x64xf32, #tpu.memory_space<hbm>>) target_semaphore(%dma_start3A_249 : memref<!tpu.dma_semaphore, #tpu.memory_space<semaphore_mem>>)
    %scan3A = arith.constant 0 : i32
    %scan3A_257 = arith.constant 24 : i32
    %scan3A_258 = arith.addi %scan3A, %scan3A_257 : i32
    %scan3A_259 = arith.constant 1 : i32
    scf.for %scan3A_549 = %scan3A to %scan3A_258 step %scan3A_259  : i32 {
      %mul3A_550 = arith.constant 1 : i32
      %mul3A_551 = arith.muli %scan3A_549, %mul3A_550 : i32
      %add3A_552 = arith.constant 0 : i32
      %add3A_553 = arith.addi %add3A_552, %mul3A_551 : i32
      %mul3A_554 = arith.constant 8 : i32
      %mul3A_555 = arith.muli %mul3A_554, %add3A_553 : i32
      %add3A_556 = arith.constant 4 : i32
      %add3A_557 = arith.addi %add3A_556, %mul3A_555 : i32
      %dma_wait3A_558 = arith.constant 0 : i32
      %dma_wait3A_559 = arith.constant 0 : i32
      %dma_wait3A_560 = arith.constant 0 : i32
      %dma_wait3A_561 = arith.constant 0 : i32
      %dma_wait3A_562 = arith.constant 0 : i32
      %dma_wait3A_563 = tpu.memref_slice %arg6[%dma_wait3A_558, %dma_wait3A_561, %dma_wait3A_562] : memref<8x128x64xf32, #tpu.memory_space<vmem>> -> memref<1x128x64xf32, #tpu.memory_space<vmem>>
      %dma_wait3A_564 = tpu.memref_squeeze %dma_wait3A_563 : memref<1x128x64xf32, #tpu.memory_space<vmem>> -> memref<128x64xf32, #tpu.memory_space<vmem>>
      %dma_wait3A_565 = arith.constant 0 : i32
      %dma_wait3A_566 = tpu.memref_slice %arg4[%mul3A_2, %dma_wait3A_559, %dma_wait3A_565] : memref<4096x200x64xf32, #tpu.memory_space<hbm>> -> memref<128x1x64xf32, #tpu.memory_space<hbm>>
      %dma_wait3A_567 = tpu.memref_squeeze %dma_wait3A_566 : memref<128x1x64xf32, #tpu.memory_space<hbm>> -> memref<128x64xf32, #tpu.memory_space<hbm>>
      %dma_wait3A_568 = tpu.memref_slice %arg8[%dma_wait3A_560] : memref<8x!tpu.dma_semaphore, #tpu.memory_space<semaphore_mem>> -> memref<1x!tpu.dma_semaphore, #tpu.memory_space<semaphore_mem>>
      %dma_wait3A_569 = tpu.memref_squeeze %dma_wait3A_568 : memref<1x!tpu.dma_semaphore, #tpu.memory_space<semaphore_mem>> -> memref<!tpu.dma_semaphore, #tpu.memory_space<semaphore_mem>>
      %dma_wait3A_570 = arith.constant 0 : i32
      %dma_wait3A_571 = tpu.memref_slice %arg4[%mul3A_2, %dma_wait3A_559, %dma_wait3A_570] : memref<4096x200x64xf32, #tpu.memory_space<hbm>> -> memref<128x1x64xf32, #tpu.memory_space<hbm>>
      %dma_wait3A_572 = tpu.memref_squeeze %dma_wait3A_571 : memref<128x1x64xf32, #tpu.memory_space<hbm>> -> memref<128x64xf32, #tpu.memory_space<hbm>>
      %dma_wait3A_573 = arith.constant 0 : i32
      %dma_wait3A_574 = arith.constant 0 : i32
      %dma_wait3A_575 = tpu.memref_slice %arg6[%dma_wait3A_558, %dma_wait3A_573, %dma_wait3A_574] : memref<8x128x64xf32, #tpu.memory_space<vmem>> -> memref<1x128x64xf32, #tpu.memory_space<vmem>>
      %dma_wait3A_576 = tpu.memref_squeeze %dma_wait3A_575 : memref<1x128x64xf32, #tpu.memory_space<vmem>> -> memref<128x64xf32, #tpu.memory_space<vmem>>
      tpu.wait_dma2 semaphore(%dma_wait3A_569 : memref<!tpu.dma_semaphore, #tpu.memory_space<semaphore_mem>>) src(%dma_wait3A_576 : memref<128x64xf32, #tpu.memory_space<vmem>>) dst(%dma_wait3A_572 : memref<128x64xf32, #tpu.memory_space<hbm>>)
      %add3A_577 = arith.constant 4 : i32
      %add3A_578 = arith.addi %add3A_557, %add3A_577 : i32
      %add3A_579 = arith.constant 0 : i32
      %add3A_580 = arith.addi %add3A_578, %add3A_579 : i32
      %dma_start3A_581 = arith.constant 0 : i32
      %dma_start3A_582 = arith.constant 0 : i32
      %dma_start3A_583 = arith.constant 0 : i32
      %dma_start3A_584 = arith.constant 0 : i32
      %dma_start3A_585 = tpu.memref_slice %arg6[%dma_start3A_581, %dma_start3A_583, %dma_start3A_584] : memref<8x128x64xf32, #tpu.memory_space<vmem>> -> memref<1x128x64xf32, #tpu.memory_space<vmem>>
      %dma_start3A_586 = tpu.memref_squeeze %dma_start3A_585 : memref<1x128x64xf32, #tpu.memory_space<vmem>> -> memref<128x64xf32, #tpu.memory_space<vmem>>
      %dma_start3A_587 = arith.constant 0 : i32
      %dma_start3A_588 = tpu.memref_slice %arg5[%add3A_580, %dma_start3A_587] : memref<200x128xi32, #tpu.memory_space<vmem>> -> memref<1x128xi32, #tpu.memory_space<vmem>>
      %dma_start3A_589 = tpu.memref_squeeze %dma_start3A_588 : memref<1x128xi32, #tpu.memory_space<vmem>> -> memref<128xi32, #tpu.memory_space<vmem>>
      %dma_start3A_590 = arith.constant 0 : i32
      %dma_start3A_591 = arith.constant 0 : i32
      %dma_start3A_592 = tpu.memref_slice %arg3[%dma_start3A_590, %dma_start3A_591] : memref<1000000x64xf32, #tpu.memory_space<hbm>> -> memref<1000000x64xf32, #tpu.memory_space<hbm>>
      %dma_start3A_593 = tpu.memref_slice %arg7[%dma_start3A_582] : memref<8x!tpu.dma_semaphore, #tpu.memory_space<semaphore_mem>> -> memref<1x!tpu.dma_semaphore, #tpu.memory_space<semaphore_mem>>
      %dma_start3A_594 = tpu.memref_squeeze %dma_start3A_593 : memref<1x!tpu.dma_semaphore, #tpu.memory_space<semaphore_mem>> -> memref<!tpu.dma_semaphore, #tpu.memory_space<semaphore_mem>>
      tpu.enqueue_indirect_dma source(%dma_start3A_592 : memref<1000000x64xf32, #tpu.memory_space<hbm>>) target(%dma_start3A_586 : memref<128x64xf32, #tpu.memory_space<vmem>>) offsets(%dma_start3A_589 : memref<128xi32, #tpu.memory_space<vmem>>) semaphore(%dma_start3A_594 : memref<!tpu.dma_semaphore, #tpu.memory_space<semaphore_mem>>)
      %dma_wait3A_595 = arith.constant 0 : i32
      %dma_wait3A_596 = arith.constant 4 : i32
      %dma_wait3A_597 = arith.constant 4 : i32
      %dma_wait3A_598 = arith.constant 0 : i32
      %dma_wait3A_599 = arith.constant 0 : i32
      %dma_wait3A_600 = tpu.memref_slice %arg6[%dma_wait3A_596, %dma_wait3A_598, %dma_wait3A_599] : memref<8x128x64xf32, #tpu.memory_space<vmem>> -> memref<1x128x64xf32, #tpu.memory_space<vmem>>
      %dma_wait3A_601 = tpu.memref_squeeze %dma_wait3A_600 : memref<1x128x64xf32, #tpu.memory_space<vmem>> -> memref<128x64xf32, #tpu.memory_space<vmem>>
      %dma_wait3A_602 = arith.constant 0 : i32
      %dma_wait3A_603 = tpu.memref_slice %arg5[%dma_wait3A_595, %dma_wait3A_602] : memref<200x128xi32, #tpu.memory_space<vmem>> -> memref<1x128xi32, #tpu.memory_space<vmem>>
      %dma_wait3A_604 = tpu.memref_squeeze %dma_wait3A_603 : memref<1x128xi32, #tpu.memory_space<vmem>> -> memref<128xi32, #tpu.memory_space<vmem>>
      %dma_wait3A_605 = arith.constant 0 : i32
      %dma_wait3A_606 = arith.constant 0 : i32
      %dma_wait3A_607 = tpu.memref_slice %arg3[%dma_wait3A_605, %dma_wait3A_606] : memref<1000000x64xf32, #tpu.memory_space<hbm>> -> memref<1000000x64xf32, #tpu.memory_space<hbm>>
      %dma_wait3A_608 = tpu.memref_slice %arg7[%dma_wait3A_597] : memref<8x!tpu.dma_semaphore, #tpu.memory_space<semaphore_mem>> -> memref<1x!tpu.dma_semaphore, #tpu.memory_space<semaphore_mem>>
      %dma_wait3A_609 = tpu.memref_squeeze %dma_wait3A_608 : memref<1x!tpu.dma_semaphore, #tpu.memory_space<semaphore_mem>> -> memref<!tpu.dma_semaphore, #tpu.memory_space<semaphore_mem>>
      tpu.wait_indirect_dma semaphore(%dma_wait3A_609 : memref<!tpu.dma_semaphore, #tpu.memory_space<semaphore_mem>>) src(%dma_wait3A_607 : memref<1000000x64xf32, #tpu.memory_space<hbm>>) dst(%dma_wait3A_601 : memref<128x64xf32, #tpu.memory_space<vmem>>)
      %add3A_610 = arith.constant 0 : i32
      %add3A_611 = arith.addi %add3A_557, %add3A_610 : i32
      %dma_start3A_612 = arith.constant 4 : i32
      %dma_start3A_613 = arith.constant 4 : i32
      %dma_start3A_614 = arith.constant 0 : i32
      %dma_start3A_615 = arith.constant 0 : i32
      %dma_start3A_616 = tpu.memref_slice %arg6[%dma_start3A_612, %dma_start3A_614, %dma_start3A_615] : memref<8x128x64xf32, #tpu.memory_space<vmem>> -> memref<1x128x64xf32, #tpu.memory_space<vmem>>
      %dma_start3A_617 = tpu.memref_squeeze %dma_start3A_616 : memref<1x128x64xf32, #tpu.memory_space<vmem>> -> memref<128x64xf32, #tpu.memory_space<vmem>>
      %dma_start3A_618 = arith.constant 0 : i32
      %dma_start3A_619 = tpu.memref_slice %arg4[%mul3A_2, %add3A_611, %dma_start3A_618] : memref<4096x200x64xf32, #tpu.memory_space<hbm>> -> memref<128x1x64xf32, #tpu.memory_space<hbm>>
      %dma_start3A_620 = tpu.memref_squeeze %dma_start3A_619 : memref<128x1x64xf32, #tpu.memory_space<hbm>> -> memref<128x64xf32, #tpu.memory_space<hbm>>
      %dma_start3A_621 = tpu.memref_slice %arg8[%dma_start3A_613] : memref<8x!tpu.dma_semaphore, #tpu.memory_space<semaphore_mem>> -> memref<1x!tpu.dma_semaphore, #tpu.memory_space<semaphore_mem>>
      %dma_start3A_622 = tpu.memref_squeeze %dma_start3A_621 : memref<1x!tpu.dma_semaphore, #tpu.memory_space<semaphore_mem>> -> memref<!tpu.dma_semaphore, #tpu.memory_space<semaphore_mem>>
      %dma_start3A_623 = arith.constant 0 : i32
      %dma_start3A_624 = tpu.memref_slice %arg4[%mul3A_2, %add3A_611, %dma_start3A_623] : memref<4096x200x64xf32, #tpu.memory_space<hbm>> -> memref<128x1x64xf32, #tpu.memory_space<hbm>>
      %dma_start3A_625 = tpu.memref_squeeze %dma_start3A_624 : memref<128x1x64xf32, #tpu.memory_space<hbm>> -> memref<128x64xf32, #tpu.memory_space<hbm>>
      %dma_start3A_626 = arith.constant 0 : i32
      %dma_start3A_627 = arith.constant 0 : i32
      %dma_start3A_628 = tpu.memref_slice %arg6[%dma_start3A_612, %dma_start3A_626, %dma_start3A_627] : memref<8x128x64xf32, #tpu.memory_space<vmem>> -> memref<1x128x64xf32, #tpu.memory_space<vmem>>
      %dma_start3A_629 = tpu.memref_squeeze %dma_start3A_628 : memref<1x128x64xf32, #tpu.memory_space<vmem>> -> memref<128x64xf32, #tpu.memory_space<vmem>>
      tpu.enqueue_dma source(%dma_start3A_629 : memref<128x64xf32, #tpu.memory_space<vmem>>) target(%dma_start3A_625 : memref<128x64xf32, #tpu.memory_space<hbm>>) target_semaphore(%dma_start3A_622 : memref<!tpu.dma_semaphore, #tpu.memory_space<semaphore_mem>>)
      %dma_wait3A_630 = arith.constant 1 : i32
      %dma_wait3A_631 = arith.constant 0 : i32
      %dma_wait3A_632 = arith.constant 1 : i32
      %dma_wait3A_633 = arith.constant 0 : i32
      %dma_wait3A_634 = arith.constant 0 : i32
      %dma_wait3A_635 = tpu.memref_slice %arg6[%dma_wait3A_630, %dma_wait3A_633, %dma_wait3A_634] : memref<8x128x64xf32, #tpu.memory_space<vmem>> -> memref<1x128x64xf32, #tpu.memory_space<vmem>>
      %dma_wait3A_636 = tpu.memref_squeeze %dma_wait3A_635 : memref<1x128x64xf32, #tpu.memory_space<vmem>> -> memref<128x64xf32, #tpu.memory_space<vmem>>
      %dma_wait3A_637 = arith.constant 0 : i32
      %dma_wait3A_638 = tpu.memref_slice %arg4[%mul3A_2, %dma_wait3A_631, %dma_wait3A_637] : memref<4096x200x64xf32, #tpu.memory_space<hbm>> -> memref<128x1x64xf32, #tpu.memory_space<hbm>>
      %dma_wait3A_639 = tpu.memref_squeeze %dma_wait3A_638 : memref<128x1x64xf32, #tpu.memory_space<hbm>> -> memref<128x64xf32, #tpu.memory_space<hbm>>
      %dma_wait3A_640 = tpu.memref_slice %arg8[%dma_wait3A_632] : memref<8x!tpu.dma_semaphore, #tpu.memory_space<semaphore_mem>> -> memref<1x!tpu.dma_semaphore, #tpu.memory_space<semaphore_mem>>
      %dma_wait3A_641 = tpu.memref_squeeze %dma_wait3A_640 : memref<1x!tpu.dma_semaphore, #tpu.memory_space<semaphore_mem>> -> memref<!tpu.dma_semaphore, #tpu.memory_space<semaphore_mem>>
      %dma_wait3A_642 = arith.constant 0 : i32
      %dma_wait3A_643 = tpu.memref_slice %arg4[%mul3A_2, %dma_wait3A_631, %dma_wait3A_642] : memref<4096x200x64xf32, #tpu.memory_space<hbm>> -> memref<128x1x64xf32, #tpu.memory_space<hbm>>
      %dma_wait3A_644 = tpu.memref_squeeze %dma_wait3A_643 : memref<128x1x64xf32, #tpu.memory_space<hbm>> -> memref<128x64xf32, #tpu.memory_space<hbm>>
      %dma_wait3A_645 = arith.constant 0 : i32
      %dma_wait3A_646 = arith.constant 0 : i32
      %dma_wait3A_647 = tpu.memref_slice %arg6[%dma_wait3A_630, %dma_wait3A_645, %dma_wait3A_646] : memref<8x128x64xf32, #tpu.memory_space<vmem>> -> memref<1x128x64xf32, #tpu.memory_space<vmem>>
      %dma_wait3A_648 = tpu.memref_squeeze %dma_wait3A_647 : memref<1x128x64xf32, #tpu.memory_space<vmem>> -> memref<128x64xf32, #tpu.memory_space<vmem>>
      tpu.wait_dma2 semaphore(%dma_wait3A_641 : memref<!tpu.dma_semaphore, #tpu.memory_space<semaphore_mem>>) src(%dma_wait3A_648 : memref<128x64xf32, #tpu.memory_space<vmem>>) dst(%dma_wait3A_644 : memref<128x64xf32, #tpu.memory_space<hbm>>)
      %add3A_649 = arith.constant 4 : i32
      %add3A_650 = arith.addi %add3A_557, %add3A_649 : i32
      %add3A_651 = arith.constant 1 : i32
      %add3A_652 = arith.addi %add3A_650, %add3A_651 : i32
      %dma_start3A_653 = arith.constant 1 : i32
      %dma_start3A_654 = arith.constant 1 : i32
      %dma_start3A_655 = arith.constant 0 : i32
      %dma_start3A_656 = arith.constant 0 : i32
      %dma_start3A_657 = tpu.memref_slice %arg6[%dma_start3A_653, %dma_start3A_655, %dma_start3A_656] : memref<8x128x64xf32, #tpu.memory_space<vmem>> -> memref<1x128x64xf32, #tpu.memory_space<vmem>>
      %dma_start3A_658 = tpu.memref_squeeze %dma_start3A_657 : memref<1x128x64xf32, #tpu.memory_space<vmem>> -> memref<128x64xf32, #tpu.memory_space<vmem>>
      %dma_start3A_659 = arith.constant 0 : i32
      %dma_start3A_660 = tpu.memref_slice %arg5[%add3A_652, %dma_start3A_659] : memref<200x128xi32, #tpu.memory_space<vmem>> -> memref<1x128xi32, #tpu.memory_space<vmem>>
      %dma_start3A_661 = tpu.memref_squeeze %dma_start3A_660 : memref<1x128xi32, #tpu.memory_space<vmem>> -> memref<128xi32, #tpu.memory_space<vmem>>
      %dma_start3A_662 = arith.constant 0 : i32
      %dma_start3A_663 = arith.constant 0 : i32
      %dma_start3A_664 = tpu.memref_slice %arg3[%dma_start3A_662, %dma_start3A_663] : memref<1000000x64xf32, #tpu.memory_space<hbm>> -> memref<1000000x64xf32, #tpu.memory_space<hbm>>
      %dma_start3A_665 = tpu.memref_slice %arg7[%dma_start3A_654] : memref<8x!tpu.dma_semaphore, #tpu.memory_space<semaphore_mem>> -> memref<1x!tpu.dma_semaphore, #tpu.memory_space<semaphore_mem>>
      %dma_start3A_666 = tpu.memref_squeeze %dma_start3A_665 : memref<1x!tpu.dma_semaphore, #tpu.memory_space<semaphore_mem>> -> memref<!tpu.dma_semaphore, #tpu.memory_space<semaphore_mem>>
      tpu.enqueue_indirect_dma source(%dma_start3A_664 : memref<1000000x64xf32, #tpu.memory_space<hbm>>) target(%dma_start3A_658 : memref<128x64xf32, #tpu.memory_space<vmem>>) offsets(%dma_start3A_661 : memref<128xi32, #tpu.memory_space<vmem>>) semaphore(%dma_start3A_666 : memref<!tpu.dma_semaphore, #tpu.memory_space<semaphore_mem>>)
      %dma_wait3A_667 = arith.constant 0 : i32
      %dma_wait3A_668 = arith.constant 5 : i32
      %dma_wait3A_669 = arith.constant 5 : i32
      %dma_wait3A_670 = arith.constant 0 : i32
      %dma_wait3A_671 = arith.constant 0 : i32
      %dma_wait3A_672 = tpu.memref_slice %arg6[%dma_wait3A_668, %dma_wait3A_670, %dma_wait3A_671] : memref<8x128x64xf32, #tpu.memory_space<vmem>> -> memref<1x128x64xf32, #tpu.memory_space<vmem>>
      %dma_wait3A_673 = tpu.memref_squeeze %dma_wait3A_672 : memref<1x128x64xf32, #tpu.memory_space<vmem>> -> memref<128x64xf32, #tpu.memory_space<vmem>>
      %dma_wait3A_674 = arith.constant 0 : i32
      %dma_wait3A_675 = tpu.memref_slice %arg5[%dma_wait3A_667, %dma_wait3A_674] : memref<200x128xi32, #tpu.memory_space<vmem>> -> memref<1x128xi32, #tpu.memory_space<vmem>>
      %dma_wait3A_676 = tpu.memref_squeeze %dma_wait3A_675 : memref<1x128xi32, #tpu.memory_space<vmem>> -> memref<128xi32, #tpu.memory_space<vmem>>
      %dma_wait3A_677 = arith.constant 0 : i32
      %dma_wait3A_678 = arith.constant 0 : i32
      %dma_wait3A_679 = tpu.memref_slice %arg3[%dma_wait3A_677, %dma_wait3A_678] : memref<1000000x64xf32, #tpu.memory_space<hbm>> -> memref<1000000x64xf32, #tpu.memory_space<hbm>>
      %dma_wait3A_680 = tpu.memref_slice %arg7[%dma_wait3A_669] : memref<8x!tpu.dma_semaphore, #tpu.memory_space<semaphore_mem>> -> memref<1x!tpu.dma_semaphore, #tpu.memory_space<semaphore_mem>>
      %dma_wait3A_681 = tpu.memref_squeeze %dma_wait3A_680 : memref<1x!tpu.dma_semaphore, #tpu.memory_space<semaphore_mem>> -> memref<!tpu.dma_semaphore, #tpu.memory_space<semaphore_mem>>
      tpu.wait_indirect_dma semaphore(%dma_wait3A_681 : memref<!tpu.dma_semaphore, #tpu.memory_space<semaphore_mem>>) src(%dma_wait3A_679 : memref<1000000x64xf32, #tpu.memory_space<hbm>>) dst(%dma_wait3A_673 : memref<128x64xf32, #tpu.memory_space<vmem>>)
      %add3A_682 = arith.constant 1 : i32
      %add3A_683 = arith.addi %add3A_557, %add3A_682 : i32
      %dma_start3A_684 = arith.constant 5 : i32
      %dma_start3A_685 = arith.constant 5 : i32
      %dma_start3A_686 = arith.constant 0 : i32
      %dma_start3A_687 = arith.constant 0 : i32
      %dma_start3A_688 = tpu.memref_slice %arg6[%dma_start3A_684, %dma_start3A_686, %dma_start3A_687] : memref<8x128x64xf32, #tpu.memory_space<vmem>> -> memref<1x128x64xf32, #tpu.memory_space<vmem>>
      %dma_start3A_689 = tpu.memref_squeeze %dma_start3A_688 : memref<1x128x64xf32, #tpu.memory_space<vmem>> -> memref<128x64xf32, #tpu.memory_space<vmem>>
      %dma_start3A_690 = arith.constant 0 : i32
      %dma_start3A_691 = tpu.memref_slice %arg4[%mul3A_2, %add3A_683, %dma_start3A_690] : memref<4096x200x64xf32, #tpu.memory_space<hbm>> -> memref<128x1x64xf32, #tpu.memory_space<hbm>>
      %dma_start3A_692 = tpu.memref_squeeze %dma_start3A_691 : memref<128x1x64xf32, #tpu.memory_space<hbm>> -> memref<128x64xf32, #tpu.memory_space<hbm>>
      %dma_start3A_693 = tpu.memref_slice %arg8[%dma_start3A_685] : memref<8x!tpu.dma_semaphore, #tpu.memory_space<semaphore_mem>> -> memref<1x!tpu.dma_semaphore, #tpu.memory_space<semaphore_mem>>
      %dma_start3A_694 = tpu.memref_squeeze %dma_start3A_693 : memref<1x!tpu.dma_semaphore, #tpu.memory_space<semaphore_mem>> -> memref<!tpu.dma_semaphore, #tpu.memory_space<semaphore_mem>>
      %dma_start3A_695 = arith.constant 0 : i32
      %dma_start3A_696 = tpu.memref_slice %arg4[%mul3A_2, %add3A_683, %dma_start3A_695] : memref<4096x200x64xf32, #tpu.memory_space<hbm>> -> memref<128x1x64xf32, #tpu.memory_space<hbm>>
      %dma_start3A_697 = tpu.memref_squeeze %dma_start3A_696 : memref<128x1x64xf32, #tpu.memory_space<hbm>> -> memref<128x64xf32, #tpu.memory_space<hbm>>
      %dma_start3A_698 = arith.constant 0 : i32
      %dma_start3A_699 = arith.constant 0 : i32
      %dma_start3A_700 = tpu.memref_slice %arg6[%dma_start3A_684, %dma_start3A_698, %dma_start3A_699] : memref<8x128x64xf32, #tpu.memory_space<vmem>> -> memref<1x128x64xf32, #tpu.memory_space<vmem>>
      %dma_start3A_701 = tpu.memref_squeeze %dma_start3A_700 : memref<1x128x64xf32, #tpu.memory_space<vmem>> -> memref<128x64xf32, #tpu.memory_space<vmem>>
      tpu.enqueue_dma source(%dma_start3A_701 : memref<128x64xf32, #tpu.memory_space<vmem>>) target(%dma_start3A_697 : memref<128x64xf32, #tpu.memory_space<hbm>>) target_semaphore(%dma_start3A_694 : memref<!tpu.dma_semaphore, #tpu.memory_space<semaphore_mem>>)
      %dma_wait3A_702 = arith.constant 2 : i32
      %dma_wait3A_703 = arith.constant 0 : i32
      %dma_wait3A_704 = arith.constant 2 : i32
      %dma_wait3A_705 = arith.constant 0 : i32
      %dma_wait3A_706 = arith.constant 0 : i32
      %dma_wait3A_707 = tpu.memref_slice %arg6[%dma_wait3A_702, %dma_wait3A_705, %dma_wait3A_706] : memref<8x128x64xf32, #tpu.memory_space<vmem>> -> memref<1x128x64xf32, #tpu.memory_space<vmem>>
      %dma_wait3A_708 = tpu.memref_squeeze %dma_wait3A_707 : memref<1x128x64xf32, #tpu.memory_space<vmem>> -> memref<128x64xf32, #tpu.memory_space<vmem>>
      %dma_wait3A_709 = arith.constant 0 : i32
      %dma_wait3A_710 = tpu.memref_slice %arg4[%mul3A_2, %dma_wait3A_703, %dma_wait3A_709] : memref<4096x200x64xf32, #tpu.memory_space<hbm>> -> memref<128x1x64xf32, #tpu.memory_space<hbm>>
      %dma_wait3A_711 = tpu.memref_squeeze %dma_wait3A_710 : memref<128x1x64xf32, #tpu.memory_space<hbm>> -> memref<128x64xf32, #tpu.memory_space<hbm>>
      %dma_wait3A_712 = tpu.memref_slice %arg8[%dma_wait3A_704] : memref<8x!tpu.dma_semaphore, #tpu.memory_space<semaphore_mem>> -> memref<1x!tpu.dma_semaphore, #tpu.memory_space<semaphore_mem>>
      %dma_wait3A_713 = tpu.memref_squeeze %dma_wait3A_712 : memref<1x!tpu.dma_semaphore, #tpu.memory_space<semaphore_mem>> -> memref<!tpu.dma_semaphore, #tpu.memory_space<semaphore_mem>>
      %dma_wait3A_714 = arith.constant 0 : i32
      %dma_wait3A_715 = tpu.memref_slice %arg4[%mul3A_2, %dma_wait3A_703, %dma_wait3A_714] : memref<4096x200x64xf32, #tpu.memory_space<hbm>> -> memref<128x1x64xf32, #tpu.memory_space<hbm>>
      %dma_wait3A_716 = tpu.memref_squeeze %dma_wait3A_715 : memref<128x1x64xf32, #tpu.memory_space<hbm>> -> memref<128x64xf32, #tpu.memory_space<hbm>>
      %dma_wait3A_717 = arith.constant 0 : i32
      %dma_wait3A_718 = arith.constant 0 : i32
      %dma_wait3A_719 = tpu.memref_slice %arg6[%dma_wait3A_702, %dma_wait3A_717, %dma_wait3A_718] : memref<8x128x64xf32, #tpu.memory_space<vmem>> -> memref<1x128x64xf32, #tpu.memory_space<vmem>>
      %dma_wait3A_720 = tpu.memref_squeeze %dma_wait3A_719 : memref<1x128x64xf32, #tpu.memory_space<vmem>> -> memref<128x64xf32, #tpu.memory_space<vmem>>
      tpu.wait_dma2 semaphore(%dma_wait3A_713 : memref<!tpu.dma_semaphore, #tpu.memory_space<semaphore_mem>>) src(%dma_wait3A_720 : memref<128x64xf32, #tpu.memory_space<vmem>>) dst(%dma_wait3A_716 : memref<128x64xf32, #tpu.memory_space<hbm>>)
      %add3A_721 = arith.constant 4 : i32
      %add3A_722 = arith.addi %add3A_557, %add3A_721 : i32
      %add3A_723 = arith.constant 2 : i32
      %add3A_724 = arith.addi %add3A_722, %add3A_723 : i32
      %dma_start3A_725 = arith.constant 2 : i32
      %dma_start3A_726 = arith.constant 2 : i32
      %dma_start3A_727 = arith.constant 0 : i32
      %dma_start3A_728 = arith.constant 0 : i32
      %dma_start3A_729 = tpu.memref_slice %arg6[%dma_start3A_725, %dma_start3A_727, %dma_start3A_728] : memref<8x128x64xf32, #tpu.memory_space<vmem>> -> memref<1x128x64xf32, #tpu.memory_space<vmem>>
      %dma_start3A_730 = tpu.memref_squeeze %dma_start3A_729 : memref<1x128x64xf32, #tpu.memory_space<vmem>> -> memref<128x64xf32, #tpu.memory_space<vmem>>
      %dma_start3A_731 = arith.constant 0 : i32
      %dma_start3A_732 = tpu.memref_slice %arg5[%add3A_724, %dma_start3A_731] : memref<200x128xi32, #tpu.memory_space<vmem>> -> memref<1x128xi32, #tpu.memory_space<vmem>>
      %dma_start3A_733 = tpu.memref_squeeze %dma_start3A_732 : memref<1x128xi32, #tpu.memory_space<vmem>> -> memref<128xi32, #tpu.memory_space<vmem>>
      %dma_start3A_734 = arith.constant 0 : i32
      %dma_start3A_735 = arith.constant 0 : i32
      %dma_start3A_736 = tpu.memref_slice %arg3[%dma_start3A_734, %dma_start3A_735] : memref<1000000x64xf32, #tpu.memory_space<hbm>> -> memref<1000000x64xf32, #tpu.memory_space<hbm>>
      %dma_start3A_737 = tpu.memref_slice %arg7[%dma_start3A_726] : memref<8x!tpu.dma_semaphore, #tpu.memory_space<semaphore_mem>> -> memref<1x!tpu.dma_semaphore, #tpu.memory_space<semaphore_mem>>
      %dma_start3A_738 = tpu.memref_squeeze %dma_start3A_737 : memref<1x!tpu.dma_semaphore, #tpu.memory_space<semaphore_mem>> -> memref<!tpu.dma_semaphore, #tpu.memory_space<semaphore_mem>>
      tpu.enqueue_indirect_dma source(%dma_start3A_736 : memref<1000000x64xf32, #tpu.memory_space<hbm>>) target(%dma_start3A_730 : memref<128x64xf32, #tpu.memory_space<vmem>>) offsets(%dma_start3A_733 : memref<128xi32, #tpu.memory_space<vmem>>) semaphore(%dma_start3A_738 : memref<!tpu.dma_semaphore, #tpu.memory_space<semaphore_mem>>)
      %dma_wait3A_739 = arith.constant 0 : i32
      %dma_wait3A_740 = arith.constant 6 : i32
      %dma_wait3A_741 = arith.constant 6 : i32
      %dma_wait3A_742 = arith.constant 0 : i32
      %dma_wait3A_743 = arith.constant 0 : i32
      %dma_wait3A_744 = tpu.memref_slice %arg6[%dma_wait3A_740, %dma_wait3A_742, %dma_wait3A_743] : memref<8x128x64xf32, #tpu.memory_space<vmem>> -> memref<1x128x64xf32, #tpu.memory_space<vmem>>
      %dma_wait3A_745 = tpu.memref_squeeze %dma_wait3A_744 : memref<1x128x64xf32, #tpu.memory_space<vmem>> -> memref<128x64xf32, #tpu.memory_space<vmem>>
      %dma_wait3A_746 = arith.constant 0 : i32
      %dma_wait3A_747 = tpu.memref_slice %arg5[%dma_wait3A_739, %dma_wait3A_746] : memref<200x128xi32, #tpu.memory_space<vmem>> -> memref<1x128xi32, #tpu.memory_space<vmem>>
      %dma_wait3A_748 = tpu.memref_squeeze %dma_wait3A_747 : memref<1x128xi32, #tpu.memory_space<vmem>> -> memref<128xi32, #tpu.memory_space<vmem>>
      %dma_wait3A_749 = arith.constant 0 : i32
      %dma_wait3A_750 = arith.constant 0 : i32
      %dma_wait3A_751 = tpu.memref_slice %arg3[%dma_wait3A_749, %dma_wait3A_750] : memref<1000000x64xf32, #tpu.memory_space<hbm>> -> memref<1000000x64xf32, #tpu.memory_space<hbm>>
      %dma_wait3A_752 = tpu.memref_slice %arg7[%dma_wait3A_741] : memref<8x!tpu.dma_semaphore, #tpu.memory_space<semaphore_mem>> -> memref<1x!tpu.dma_semaphore, #tpu.memory_space<semaphore_mem>>
      %dma_wait3A_753 = tpu.memref_squeeze %dma_wait3A_752 : memref<1x!tpu.dma_semaphore, #tpu.memory_space<semaphore_mem>> -> memref<!tpu.dma_semaphore, #tpu.memory_space<semaphore_mem>>
      tpu.wait_indirect_dma semaphore(%dma_wait3A_753 : memref<!tpu.dma_semaphore, #tpu.memory_space<semaphore_mem>>) src(%dma_wait3A_751 : memref<1000000x64xf32, #tpu.memory_space<hbm>>) dst(%dma_wait3A_745 : memref<128x64xf32, #tpu.memory_space<vmem>>)
      %add3A_754 = arith.constant 2 : i32
      %add3A_755 = arith.addi %add3A_557, %add3A_754 : i32
      %dma_start3A_756 = arith.constant 6 : i32
      %dma_start3A_757 = arith.constant 6 : i32
      %dma_start3A_758 = arith.constant 0 : i32
      %dma_start3A_759 = arith.constant 0 : i32
      %dma_start3A_760 = tpu.memref_slice %arg6[%dma_start3A_756, %dma_start3A_758, %dma_start3A_759] : memref<8x128x64xf32, #tpu.memory_space<vmem>> -> memref<1x128x64xf32, #tpu.memory_space<vmem>>
      %dma_start3A_761 = tpu.memref_squeeze %dma_start3A_760 : memref<1x128x64xf32, #tpu.memory_space<vmem>> -> memref<128x64xf32, #tpu.memory_space<vmem>>
      %dma_start3A_762 = arith.constant 0 : i32
      %dma_start3A_763 = tpu.memref_slice %arg4[%mul3A_2, %add3A_755, %dma_start3A_762] : memref<4096x200x64xf32, #tpu.memory_space<hbm>> -> memref<128x1x64xf32, #tpu.memory_space<hbm>>
      %dma_start3A_764 = tpu.memref_squeeze %dma_start3A_763 : memref<128x1x64xf32, #tpu.memory_space<hbm>> -> memref<128x64xf32, #tpu.memory_space<hbm>>
      %dma_start3A_765 = tpu.memref_slice %arg8[%dma_start3A_757] : memref<8x!tpu.dma_semaphore, #tpu.memory_space<semaphore_mem>> -> memref<1x!tpu.dma_semaphore, #tpu.memory_space<semaphore_mem>>
      %dma_start3A_766 = tpu.memref_squeeze %dma_start3A_765 : memref<1x!tpu.dma_semaphore, #tpu.memory_space<semaphore_mem>> -> memref<!tpu.dma_semaphore, #tpu.memory_space<semaphore_mem>>
      %dma_start3A_767 = arith.constant 0 : i32
      %dma_start3A_768 = tpu.memref_slice %arg4[%mul3A_2, %add3A_755, %dma_start3A_767] : memref<4096x200x64xf32, #tpu.memory_space<hbm>> -> memref<128x1x64xf32, #tpu.memory_space<hbm>>
      %dma_start3A_769 = tpu.memref_squeeze %dma_start3A_768 : memref<128x1x64xf32, #tpu.memory_space<hbm>> -> memref<128x64xf32, #tpu.memory_space<hbm>>
      %dma_start3A_770 = arith.constant 0 : i32
      %dma_start3A_771 = arith.constant 0 : i32
      %dma_start3A_772 = tpu.memref_slice %arg6[%dma_start3A_756, %dma_start3A_770, %dma_start3A_771] : memref<8x128x64xf32, #tpu.memory_space<vmem>> -> memref<1x128x64xf32, #tpu.memory_space<vmem>>
      %dma_start3A_773 = tpu.memref_squeeze %dma_start3A_772 : memref<1x128x64xf32, #tpu.memory_space<vmem>> -> memref<128x64xf32, #tpu.memory_space<vmem>>
      tpu.enqueue_dma source(%dma_start3A_773 : memref<128x64xf32, #tpu.memory_space<vmem>>) target(%dma_start3A_769 : memref<128x64xf32, #tpu.memory_space<hbm>>) target_semaphore(%dma_start3A_766 : memref<!tpu.dma_semaphore, #tpu.memory_space<semaphore_mem>>)
      %dma_wait3A_774 = arith.constant 3 : i32
      %dma_wait3A_775 = arith.constant 0 : i32
      %dma_wait3A_776 = arith.constant 3 : i32
      %dma_wait3A_777 = arith.constant 0 : i32
      %dma_wait3A_778 = arith.constant 0 : i32
      %dma_wait3A_779 = tpu.memref_slice %arg6[%dma_wait3A_774, %dma_wait3A_777, %dma_wait3A_778] : memref<8x128x64xf32, #tpu.memory_space<vmem>> -> memref<1x128x64xf32, #tpu.memory_space<vmem>>
      %dma_wait3A_780 = tpu.memref_squeeze %dma_wait3A_779 : memref<1x128x64xf32, #tpu.memory_space<vmem>> -> memref<128x64xf32, #tpu.memory_space<vmem>>
      %dma_wait3A_781 = arith.constant 0 : i32
      %dma_wait3A_782 = tpu.memref_slice %arg4[%mul3A_2, %dma_wait3A_775, %dma_wait3A_781] : memref<4096x200x64xf32, #tpu.memory_space<hbm>> -> memref<128x1x64xf32, #tpu.memory_space<hbm>>
      %dma_wait3A_783 = tpu.memref_squeeze %dma_wait3A_782 : memref<128x1x64xf32, #tpu.memory_space<hbm>> -> memref<128x64xf32, #tpu.memory_space<hbm>>
      %dma_wait3A_784 = tpu.memref_slice %arg8[%dma_wait3A_776] : memref<8x!tpu.dma_semaphore, #tpu.memory_space<semaphore_mem>> -> memref<1x!tpu.dma_semaphore, #tpu.memory_space<semaphore_mem>>
      %dma_wait3A_785 = tpu.memref_squeeze %dma_wait3A_784 : memref<1x!tpu.dma_semaphore, #tpu.memory_space<semaphore_mem>> -> memref<!tpu.dma_semaphore, #tpu.memory_space<semaphore_mem>>
      %dma_wait3A_786 = arith.constant 0 : i32
      %dma_wait3A_787 = tpu.memref_slice %arg4[%mul3A_2, %dma_wait3A_775, %dma_wait3A_786] : memref<4096x200x64xf32, #tpu.memory_space<hbm>> -> memref<128x1x64xf32, #tpu.memory_space<hbm>>
      %dma_wait3A_788 = tpu.memref_squeeze %dma_wait3A_787 : memref<128x1x64xf32, #tpu.memory_space<hbm>> -> memref<128x64xf32, #tpu.memory_space<hbm>>
      %dma_wait3A_789 = arith.constant 0 : i32
      %dma_wait3A_790 = arith.constant 0 : i32
      %dma_wait3A_791 = tpu.memref_slice %arg6[%dma_wait3A_774, %dma_wait3A_789, %dma_wait3A_790] : memref<8x128x64xf32, #tpu.memory_space<vmem>> -> memref<1x128x64xf32, #tpu.memory_space<vmem>>
      %dma_wait3A_792 = tpu.memref_squeeze %dma_wait3A_791 : memref<1x128x64xf32, #tpu.memory_space<vmem>> -> memref<128x64xf32, #tpu.memory_space<vmem>>
      tpu.wait_dma2 semaphore(%dma_wait3A_785 : memref<!tpu.dma_semaphore, #tpu.memory_space<semaphore_mem>>) src(%dma_wait3A_792 : memref<128x64xf32, #tpu.memory_space<vmem>>) dst(%dma_wait3A_788 : memref<128x64xf32, #tpu.memory_space<hbm>>)
      %add3A_793 = arith.constant 4 : i32
      %add3A_794 = arith.addi %add3A_557, %add3A_793 : i32
      %add3A_795 = arith.constant 3 : i32
      %add3A_796 = arith.addi %add3A_794, %add3A_795 : i32
      %dma_start3A_797 = arith.constant 3 : i32
      %dma_start3A_798 = arith.constant 3 : i32
      %dma_start3A_799 = arith.constant 0 : i32
      %dma_start3A_800 = arith.constant 0 : i32
      %dma_start3A_801 = tpu.memref_slice %arg6[%dma_start3A_797, %dma_start3A_799, %dma_start3A_800] : memref<8x128x64xf32, #tpu.memory_space<vmem>> -> memref<1x128x64xf32, #tpu.memory_space<vmem>>
      %dma_start3A_802 = tpu.memref_squeeze %dma_start3A_801 : memref<1x128x64xf32, #tpu.memory_space<vmem>> -> memref<128x64xf32, #tpu.memory_space<vmem>>
      %dma_start3A_803 = arith.constant 0 : i32
      %dma_start3A_804 = tpu.memref_slice %arg5[%add3A_796, %dma_start3A_803] : memref<200x128xi32, #tpu.memory_space<vmem>> -> memref<1x128xi32, #tpu.memory_space<vmem>>
      %dma_start3A_805 = tpu.memref_squeeze %dma_start3A_804 : memref<1x128xi32, #tpu.memory_space<vmem>> -> memref<128xi32, #tpu.memory_space<vmem>>
      %dma_start3A_806 = arith.constant 0 : i32
      %dma_start3A_807 = arith.constant 0 : i32
      %dma_start3A_808 = tpu.memref_slice %arg3[%dma_start3A_806, %dma_start3A_807] : memref<1000000x64xf32, #tpu.memory_space<hbm>> -> memref<1000000x64xf32, #tpu.memory_space<hbm>>
      %dma_start3A_809 = tpu.memref_slice %arg7[%dma_start3A_798] : memref<8x!tpu.dma_semaphore, #tpu.memory_space<semaphore_mem>> -> memref<1x!tpu.dma_semaphore, #tpu.memory_space<semaphore_mem>>
      %dma_start3A_810 = tpu.memref_squeeze %dma_start3A_809 : memref<1x!tpu.dma_semaphore, #tpu.memory_space<semaphore_mem>> -> memref<!tpu.dma_semaphore, #tpu.memory_space<semaphore_mem>>
      tpu.enqueue_indirect_dma source(%dma_start3A_808 : memref<1000000x64xf32, #tpu.memory_space<hbm>>) target(%dma_start3A_802 : memref<128x64xf32, #tpu.memory_space<vmem>>) offsets(%dma_start3A_805 : memref<128xi32, #tpu.memory_space<vmem>>) semaphore(%dma_start3A_810 : memref<!tpu.dma_semaphore, #tpu.memory_space<semaphore_mem>>)
      %dma_wait3A_811 = arith.constant 0 : i32
      %dma_wait3A_812 = arith.constant 7 : i32
      %dma_wait3A_813 = arith.constant 7 : i32
      %dma_wait3A_814 = arith.constant 0 : i32
      %dma_wait3A_815 = arith.constant 0 : i32
      %dma_wait3A_816 = tpu.memref_slice %arg6[%dma_wait3A_812, %dma_wait3A_814, %dma_wait3A_815] : memref<8x128x64xf32, #tpu.memory_space<vmem>> -> memref<1x128x64xf32, #tpu.memory_space<vmem>>
      %dma_wait3A_817 = tpu.memref_squeeze %dma_wait3A_816 : memref<1x128x64xf32, #tpu.memory_space<vmem>> -> memref<128x64xf32, #tpu.memory_space<vmem>>
      %dma_wait3A_818 = arith.constant 0 : i32
      %dma_wait3A_819 = tpu.memref_slice %arg5[%dma_wait3A_811, %dma_wait3A_818] : memref<200x128xi32, #tpu.memory_space<vmem>> -> memref<1x128xi32, #tpu.memory_space<vmem>>
      %dma_wait3A_820 = tpu.memref_squeeze %dma_wait3A_819 : memref<1x128xi32, #tpu.memory_space<vmem>> -> memref<128xi32, #tpu.memory_space<vmem>>
      %dma_wait3A_821 = arith.constant 0 : i32
      %dma_wait3A_822 = arith.constant 0 : i32
      %dma_wait3A_823 = tpu.memref_slice %arg3[%dma_wait3A_821, %dma_wait3A_822] : memref<1000000x64xf32, #tpu.memory_space<hbm>> -> memref<1000000x64xf32, #tpu.memory_space<hbm>>
      %dma_wait3A_824 = tpu.memref_slice %arg7[%dma_wait3A_813] : memref<8x!tpu.dma_semaphore, #tpu.memory_space<semaphore_mem>> -> memref<1x!tpu.dma_semaphore, #tpu.memory_space<semaphore_mem>>
      %dma_wait3A_825 = tpu.memref_squeeze %dma_wait3A_824 : memref<1x!tpu.dma_semaphore, #tpu.memory_space<semaphore_mem>> -> memref<!tpu.dma_semaphore, #tpu.memory_space<semaphore_mem>>
      tpu.wait_indirect_dma semaphore(%dma_wait3A_825 : memref<!tpu.dma_semaphore, #tpu.memory_space<semaphore_mem>>) src(%dma_wait3A_823 : memref<1000000x64xf32, #tpu.memory_space<hbm>>) dst(%dma_wait3A_817 : memref<128x64xf32, #tpu.memory_space<vmem>>)
      %add3A_826 = arith.constant 3 : i32
      %add3A_827 = arith.addi %add3A_557, %add3A_826 : i32
      %dma_start3A_828 = arith.constant 7 : i32
      %dma_start3A_829 = arith.constant 7 : i32
      %dma_start3A_830 = arith.constant 0 : i32
      %dma_start3A_831 = arith.constant 0 : i32
      %dma_start3A_832 = tpu.memref_slice %arg6[%dma_start3A_828, %dma_start3A_830, %dma_start3A_831] : memref<8x128x64xf32, #tpu.memory_space<vmem>> -> memref<1x128x64xf32, #tpu.memory_space<vmem>>
      %dma_start3A_833 = tpu.memref_squeeze %dma_start3A_832 : memref<1x128x64xf32, #tpu.memory_space<vmem>> -> memref<128x64xf32, #tpu.memory_space<vmem>>
      %dma_start3A_834 = arith.constant 0 : i32
      %dma_start3A_835 = tpu.memref_slice %arg4[%mul3A_2, %add3A_827, %dma_start3A_834] : memref<4096x200x64xf32, #tpu.memory_space<hbm>> -> memref<128x1x64xf32, #tpu.memory_space<hbm>>
      %dma_start3A_836 = tpu.memref_squeeze %dma_start3A_835 : memref<128x1x64xf32, #tpu.memory_space<hbm>> -> memref<128x64xf32, #tpu.memory_space<hbm>>
      %dma_start3A_837 = tpu.memref_slice %arg8[%dma_start3A_829] : memref<8x!tpu.dma_semaphore, #tpu.memory_space<semaphore_mem>> -> memref<1x!tpu.dma_semaphore, #tpu.memory_space<semaphore_mem>>
      %dma_start3A_838 = tpu.memref_squeeze %dma_start3A_837 : memref<1x!tpu.dma_semaphore, #tpu.memory_space<semaphore_mem>> -> memref<!tpu.dma_semaphore, #tpu.memory_space<semaphore_mem>>
      %dma_start3A_839 = arith.constant 0 : i32
      %dma_start3A_840 = tpu.memref_slice %arg4[%mul3A_2, %add3A_827, %dma_start3A_839] : memref<4096x200x64xf32, #tpu.memory_space<hbm>> -> memref<128x1x64xf32, #tpu.memory_space<hbm>>
      %dma_start3A_841 = tpu.memref_squeeze %dma_start3A_840 : memref<128x1x64xf32, #tpu.memory_space<hbm>> -> memref<128x64xf32, #tpu.memory_space<hbm>>
      %dma_start3A_842 = arith.constant 0 : i32
      %dma_start3A_843 = arith.constant 0 : i32
      %dma_start3A_844 = tpu.memref_slice %arg6[%dma_start3A_828, %dma_start3A_842, %dma_start3A_843] : memref<8x128x64xf32, #tpu.memory_space<vmem>> -> memref<1x128x64xf32, #tpu.memory_space<vmem>>
      %dma_start3A_845 = tpu.memref_squeeze %dma_start3A_844 : memref<1x128x64xf32, #tpu.memory_space<vmem>> -> memref<128x64xf32, #tpu.memory_space<vmem>>
      tpu.enqueue_dma source(%dma_start3A_845 : memref<128x64xf32, #tpu.memory_space<vmem>>) target(%dma_start3A_841 : memref<128x64xf32, #tpu.memory_space<hbm>>) target_semaphore(%dma_start3A_838 : memref<!tpu.dma_semaphore, #tpu.memory_space<semaphore_mem>>)
      %dma_wait3A_846 = arith.constant 4 : i32
      %dma_wait3A_847 = arith.constant 0 : i32
      %dma_wait3A_848 = arith.constant 4 : i32
      %dma_wait3A_849 = arith.constant 0 : i32
      %dma_wait3A_850 = arith.constant 0 : i32
      %dma_wait3A_851 = tpu.memref_slice %arg6[%dma_wait3A_846, %dma_wait3A_849, %dma_wait3A_850] : memref<8x128x64xf32, #tpu.memory_space<vmem>> -> memref<1x128x64xf32, #tpu.memory_space<vmem>>
      %dma_wait3A_852 = tpu.memref_squeeze %dma_wait3A_851 : memref<1x128x64xf32, #tpu.memory_space<vmem>> -> memref<128x64xf32, #tpu.memory_space<vmem>>
      %dma_wait3A_853 = arith.constant 0 : i32
      %dma_wait3A_854 = tpu.memref_slice %arg4[%mul3A_2, %dma_wait3A_847, %dma_wait3A_853] : memref<4096x200x64xf32, #tpu.memory_space<hbm>> -> memref<128x1x64xf32, #tpu.memory_space<hbm>>
      %dma_wait3A_855 = tpu.memref_squeeze %dma_wait3A_854 : memref<128x1x64xf32, #tpu.memory_space<hbm>> -> memref<128x64xf32, #tpu.memory_space<hbm>>
      %dma_wait3A_856 = tpu.memref_slice %arg8[%dma_wait3A_848] : memref<8x!tpu.dma_semaphore, #tpu.memory_space<semaphore_mem>> -> memref<1x!tpu.dma_semaphore, #tpu.memory_space<semaphore_mem>>
      %dma_wait3A_857 = tpu.memref_squeeze %dma_wait3A_856 : memref<1x!tpu.dma_semaphore, #tpu.memory_space<semaphore_mem>> -> memref<!tpu.dma_semaphore, #tpu.memory_space<semaphore_mem>>
      %dma_wait3A_858 = arith.constant 0 : i32
      %dma_wait3A_859 = tpu.memref_slice %arg4[%mul3A_2, %dma_wait3A_847, %dma_wait3A_858] : memref<4096x200x64xf32, #tpu.memory_space<hbm>> -> memref<128x1x64xf32, #tpu.memory_space<hbm>>
      %dma_wait3A_860 = tpu.memref_squeeze %dma_wait3A_859 : memref<128x1x64xf32, #tpu.memory_space<hbm>> -> memref<128x64xf32, #tpu.memory_space<hbm>>
      %dma_wait3A_861 = arith.constant 0 : i32
      %dma_wait3A_862 = arith.constant 0 : i32
      %dma_wait3A_863 = tpu.memref_slice %arg6[%dma_wait3A_846, %dma_wait3A_861, %dma_wait3A_862] : memref<8x128x64xf32, #tpu.memory_space<vmem>> -> memref<1x128x64xf32, #tpu.memory_space<vmem>>
      %dma_wait3A_864 = tpu.memref_squeeze %dma_wait3A_863 : memref<1x128x64xf32, #tpu.memory_space<vmem>> -> memref<128x64xf32, #tpu.memory_space<vmem>>
      tpu.wait_dma2 semaphore(%dma_wait3A_857 : memref<!tpu.dma_semaphore, #tpu.memory_space<semaphore_mem>>) src(%dma_wait3A_864 : memref<128x64xf32, #tpu.memory_space<vmem>>) dst(%dma_wait3A_860 : memref<128x64xf32, #tpu.memory_space<hbm>>)
      %add3A_865 = arith.constant 4 : i32
      %add3A_866 = arith.addi %add3A_557, %add3A_865 : i32
      %add3A_867 = arith.constant 4 : i32
      %add3A_868 = arith.addi %add3A_866, %add3A_867 : i32
      %dma_start3A_869 = arith.constant 4 : i32
      %dma_start3A_870 = arith.constant 4 : i32
      %dma_start3A_871 = arith.constant 0 : i32
      %dma_start3A_872 = arith.constant 0 : i32
      %dma_start3A_873 = tpu.memref_slice %arg6[%dma_start3A_869, %dma_start3A_871, %dma_start3A_872] : memref<8x128x64xf32, #tpu.memory_space<vmem>> -> memref<1x128x64xf32, #tpu.memory_space<vmem>>
      %dma_start3A_874 = tpu.memref_squeeze %dma_start3A_873 : memref<1x128x64xf32, #tpu.memory_space<vmem>> -> memref<128x64xf32, #tpu.memory_space<vmem>>
      %dma_start3A_875 = arith.constant 0 : i32
      %dma_start3A_876 = tpu.memref_slice %arg5[%add3A_868, %dma_start3A_875] : memref<200x128xi32, #tpu.memory_space<vmem>> -> memref<1x128xi32, #tpu.memory_space<vmem>>
      %dma_start3A_877 = tpu.memref_squeeze %dma_start3A_876 : memref<1x128xi32, #tpu.memory_space<vmem>> -> memref<128xi32, #tpu.memory_space<vmem>>
      %dma_start3A_878 = arith.constant 0 : i32
      %dma_start3A_879 = arith.constant 0 : i32
      %dma_start3A_880 = tpu.memref_slice %arg3[%dma_start3A_878, %dma_start3A_879] : memref<1000000x64xf32, #tpu.memory_space<hbm>> -> memref<1000000x64xf32, #tpu.memory_space<hbm>>
      %dma_start3A_881 = tpu.memref_slice %arg7[%dma_start3A_870] : memref<8x!tpu.dma_semaphore, #tpu.memory_space<semaphore_mem>> -> memref<1x!tpu.dma_semaphore, #tpu.memory_space<semaphore_mem>>
      %dma_start3A_882 = tpu.memref_squeeze %dma_start3A_881 : memref<1x!tpu.dma_semaphore, #tpu.memory_space<semaphore_mem>> -> memref<!tpu.dma_semaphore, #tpu.memory_space<semaphore_mem>>
      tpu.enqueue_indirect_dma source(%dma_start3A_880 : memref<1000000x64xf32, #tpu.memory_space<hbm>>) target(%dma_start3A_874 : memref<128x64xf32, #tpu.memory_space<vmem>>) offsets(%dma_start3A_877 : memref<128xi32, #tpu.memory_space<vmem>>) semaphore(%dma_start3A_882 : memref<!tpu.dma_semaphore, #tpu.memory_space<semaphore_mem>>)
      %dma_wait3A_883 = arith.constant 0 : i32
      %dma_wait3A_884 = arith.constant 0 : i32
      %dma_wait3A_885 = arith.constant 0 : i32
      %dma_wait3A_886 = arith.constant 0 : i32
      %dma_wait3A_887 = arith.constant 0 : i32
      %dma_wait3A_888 = tpu.memref_slice %arg6[%dma_wait3A_884, %dma_wait3A_886, %dma_wait3A_887] : memref<8x128x64xf32, #tpu.memory_space<vmem>> -> memref<1x128x64xf32, #tpu.memory_space<vmem>>
      %dma_wait3A_889 = tpu.memref_squeeze %dma_wait3A_888 : memref<1x128x64xf32, #tpu.memory_space<vmem>> -> memref<128x64xf32, #tpu.memory_space<vmem>>
      %dma_wait3A_890 = arith.constant 0 : i32
      %dma_wait3A_891 = tpu.memref_slice %arg5[%dma_wait3A_883, %dma_wait3A_890] : memref<200x128xi32, #tpu.memory_space<vmem>> -> memref<1x128xi32, #tpu.memory_space<vmem>>
      %dma_wait3A_892 = tpu.memref_squeeze %dma_wait3A_891 : memref<1x128xi32, #tpu.memory_space<vmem>> -> memref<128xi32, #tpu.memory_space<vmem>>
      %dma_wait3A_893 = arith.constant 0 : i32
      %dma_wait3A_894 = arith.constant 0 : i32
      %dma_wait3A_895 = tpu.memref_slice %arg3[%dma_wait3A_893, %dma_wait3A_894] : memref<1000000x64xf32, #tpu.memory_space<hbm>> -> memref<1000000x64xf32, #tpu.memory_space<hbm>>
      %dma_wait3A_896 = tpu.memref_slice %arg7[%dma_wait3A_885] : memref<8x!tpu.dma_semaphore, #tpu.memory_space<semaphore_mem>> -> memref<1x!tpu.dma_semaphore, #tpu.memory_space<semaphore_mem>>
      %dma_wait3A_897 = tpu.memref_squeeze %dma_wait3A_896 : memref<1x!tpu.dma_semaphore, #tpu.memory_space<semaphore_mem>> -> memref<!tpu.dma_semaphore, #tpu.memory_space<semaphore_mem>>
      tpu.wait_indirect_dma semaphore(%dma_wait3A_897 : memref<!tpu.dma_semaphore, #tpu.memory_space<semaphore_mem>>) src(%dma_wait3A_895 : memref<1000000x64xf32, #tpu.memory_space<hbm>>) dst(%dma_wait3A_889 : memref<128x64xf32, #tpu.memory_space<vmem>>)
      %add3A_898 = arith.constant 4 : i32
      %add3A_899 = arith.addi %add3A_557, %add3A_898 : i32
      %dma_start3A_900 = arith.constant 0 : i32
      %dma_start3A_901 = arith.constant 0 : i32
      %dma_start3A_902 = arith.constant 0 : i32
      %dma_start3A_903 = arith.constant 0 : i32
      %dma_start3A_904 = tpu.memref_slice %arg6[%dma_start3A_900, %dma_start3A_902, %dma_start3A_903] : memref<8x128x64xf32, #tpu.memory_space<vmem>> -> memref<1x128x64xf32, #tpu.memory_space<vmem>>
      %dma_start3A_905 = tpu.memref_squeeze %dma_start3A_904 : memref<1x128x64xf32, #tpu.memory_space<vmem>> -> memref<128x64xf32, #tpu.memory_space<vmem>>
      %dma_start3A_906 = arith.constant 0 : i32
      %dma_start3A_907 = tpu.memref_slice %arg4[%mul3A_2, %add3A_899, %dma_start3A_906] : memref<4096x200x64xf32, #tpu.memory_space<hbm>> -> memref<128x1x64xf32, #tpu.memory_space<hbm>>
      %dma_start3A_908 = tpu.memref_squeeze %dma_start3A_907 : memref<128x1x64xf32, #tpu.memory_space<hbm>> -> memref<128x64xf32, #tpu.memory_space<hbm>>
      %dma_start3A_909 = tpu.memref_slice %arg8[%dma_start3A_901] : memref<8x!tpu.dma_semaphore, #tpu.memory_space<semaphore_mem>> -> memref<1x!tpu.dma_semaphore, #tpu.memory_space<semaphore_mem>>
      %dma_start3A_910 = tpu.memref_squeeze %dma_start3A_909 : memref<1x!tpu.dma_semaphore, #tpu.memory_space<semaphore_mem>> -> memref<!tpu.dma_semaphore, #tpu.memory_space<semaphore_mem>>
      %dma_start3A_911 = arith.constant 0 : i32
      %dma_start3A_912 = tpu.memref_slice %arg4[%mul3A_2, %add3A_899, %dma_start3A_911] : memref<4096x200x64xf32, #tpu.memory_space<hbm>> -> memref<128x1x64xf32, #tpu.memory_space<hbm>>
      %dma_start3A_913 = tpu.memref_squeeze %dma_start3A_912 : memref<128x1x64xf32, #tpu.memory_space<hbm>> -> memref<128x64xf32, #tpu.memory_space<hbm>>
      %dma_start3A_914 = arith.constant 0 : i32
      %dma_start3A_915 = arith.constant 0 : i32
      %dma_start3A_916 = tpu.memref_slice %arg6[%dma_start3A_900, %dma_start3A_914, %dma_start3A_915] : memref<8x128x64xf32, #tpu.memory_space<vmem>> -> memref<1x128x64xf32, #tpu.memory_space<vmem>>
      %dma_start3A_917 = tpu.memref_squeeze %dma_start3A_916 : memref<1x128x64xf32, #tpu.memory_space<vmem>> -> memref<128x64xf32, #tpu.memory_space<vmem>>
      tpu.enqueue_dma source(%dma_start3A_917 : memref<128x64xf32, #tpu.memory_space<vmem>>) target(%dma_start3A_913 : memref<128x64xf32, #tpu.memory_space<hbm>>) target_semaphore(%dma_start3A_910 : memref<!tpu.dma_semaphore, #tpu.memory_space<semaphore_mem>>)
      %dma_wait3A_918 = arith.constant 5 : i32
      %dma_wait3A_919 = arith.constant 0 : i32
      %dma_wait3A_920 = arith.constant 5 : i32
      %dma_wait3A_921 = arith.constant 0 : i32
      %dma_wait3A_922 = arith.constant 0 : i32
      %dma_wait3A_923 = tpu.memref_slice %arg6[%dma_wait3A_918, %dma_wait3A_921, %dma_wait3A_922] : memref<8x128x64xf32, #tpu.memory_space<vmem>> -> memref<1x128x64xf32, #tpu.memory_space<vmem>>
      %dma_wait3A_924 = tpu.memref_squeeze %dma_wait3A_923 : memref<1x128x64xf32, #tpu.memory_space<vmem>> -> memref<128x64xf32, #tpu.memory_space<vmem>>
      %dma_wait3A_925 = arith.constant 0 : i32
      %dma_wait3A_926 = tpu.memref_slice %arg4[%mul3A_2, %dma_wait3A_919, %dma_wait3A_925] : memref<4096x200x64xf32, #tpu.memory_space<hbm>> -> memref<128x1x64xf32, #tpu.memory_space<hbm>>
      %dma_wait3A_927 = tpu.memref_squeeze %dma_wait3A_926 : memref<128x1x64xf32, #tpu.memory_space<hbm>> -> memref<128x64xf32, #tpu.memory_space<hbm>>
      %dma_wait3A_928 = tpu.memref_slice %arg8[%dma_wait3A_920] : memref<8x!tpu.dma_semaphore, #tpu.memory_space<semaphore_mem>> -> memref<1x!tpu.dma_semaphore, #tpu.memory_space<semaphore_mem>>
      %dma_wait3A_929 = tpu.memref_squeeze %dma_wait3A_928 : memref<1x!tpu.dma_semaphore, #tpu.memory_space<semaphore_mem>> -> memref<!tpu.dma_semaphore, #tpu.memory_space<semaphore_mem>>
      %dma_wait3A_930 = arith.constant 0 : i32
      %dma_wait3A_931 = tpu.memref_slice %arg4[%mul3A_2, %dma_wait3A_919, %dma_wait3A_930] : memref<4096x200x64xf32, #tpu.memory_space<hbm>> -> memref<128x1x64xf32, #tpu.memory_space<hbm>>
      %dma_wait3A_932 = tpu.memref_squeeze %dma_wait3A_931 : memref<128x1x64xf32, #tpu.memory_space<hbm>> -> memref<128x64xf32, #tpu.memory_space<hbm>>
      %dma_wait3A_933 = arith.constant 0 : i32
      %dma_wait3A_934 = arith.constant 0 : i32
      %dma_wait3A_935 = tpu.memref_slice %arg6[%dma_wait3A_918, %dma_wait3A_933, %dma_wait3A_934] : memref<8x128x64xf32, #tpu.memory_space<vmem>> -> memref<1x128x64xf32, #tpu.memory_space<vmem>>
      %dma_wait3A_936 = tpu.memref_squeeze %dma_wait3A_935 : memref<1x128x64xf32, #tpu.memory_space<vmem>> -> memref<128x64xf32, #tpu.memory_space<vmem>>
      tpu.wait_dma2 semaphore(%dma_wait3A_929 : memref<!tpu.dma_semaphore, #tpu.memory_space<semaphore_mem>>) src(%dma_wait3A_936 : memref<128x64xf32, #tpu.memory_space<vmem>>) dst(%dma_wait3A_932 : memref<128x64xf32, #tpu.memory_space<hbm>>)
      %add3A_937 = arith.constant 4 : i32
      %add3A_938 = arith.addi %add3A_557, %add3A_937 : i32
      %add3A_939 = arith.constant 5 : i32
      %add3A_940 = arith.addi %add3A_938, %add3A_939 : i32
      %dma_start3A_941 = arith.constant 5 : i32
      %dma_start3A_942 = arith.constant 5 : i32
      %dma_start3A_943 = arith.constant 0 : i32
      %dma_start3A_944 = arith.constant 0 : i32
      %dma_start3A_945 = tpu.memref_slice %arg6[%dma_start3A_941, %dma_start3A_943, %dma_start3A_944] : memref<8x128x64xf32, #tpu.memory_space<vmem>> -> memref<1x128x64xf32, #tpu.memory_space<vmem>>
      %dma_start3A_946 = tpu.memref_squeeze %dma_start3A_945 : memref<1x128x64xf32, #tpu.memory_space<vmem>> -> memref<128x64xf32, #tpu.memory_space<vmem>>
      %dma_start3A_947 = arith.constant 0 : i32
      %dma_start3A_948 = tpu.memref_slice %arg5[%add3A_940, %dma_start3A_947] : memref<200x128xi32, #tpu.memory_space<vmem>> -> memref<1x128xi32, #tpu.memory_space<vmem>>
      %dma_start3A_949 = tpu.memref_squeeze %dma_start3A_948 : memref<1x128xi32, #tpu.memory_space<vmem>> -> memref<128xi32, #tpu.memory_space<vmem>>
      %dma_start3A_950 = arith.constant 0 : i32
      %dma_start3A_951 = arith.constant 0 : i32
      %dma_start3A_952 = tpu.memref_slice %arg3[%dma_start3A_950, %dma_start3A_951] : memref<1000000x64xf32, #tpu.memory_space<hbm>> -> memref<1000000x64xf32, #tpu.memory_space<hbm>>
      %dma_start3A_953 = tpu.memref_slice %arg7[%dma_start3A_942] : memref<8x!tpu.dma_semaphore, #tpu.memory_space<semaphore_mem>> -> memref<1x!tpu.dma_semaphore, #tpu.memory_space<semaphore_mem>>
      %dma_start3A_954 = tpu.memref_squeeze %dma_start3A_953 : memref<1x!tpu.dma_semaphore, #tpu.memory_space<semaphore_mem>> -> memref<!tpu.dma_semaphore, #tpu.memory_space<semaphore_mem>>
      tpu.enqueue_indirect_dma source(%dma_start3A_952 : memref<1000000x64xf32, #tpu.memory_space<hbm>>) target(%dma_start3A_946 : memref<128x64xf32, #tpu.memory_space<vmem>>) offsets(%dma_start3A_949 : memref<128xi32, #tpu.memory_space<vmem>>) semaphore(%dma_start3A_954 : memref<!tpu.dma_semaphore, #tpu.memory_space<semaphore_mem>>)
      %dma_wait3A_955 = arith.constant 0 : i32
      %dma_wait3A_956 = arith.constant 1 : i32
      %dma_wait3A_957 = arith.constant 1 : i32
      %dma_wait3A_958 = arith.constant 0 : i32
      %dma_wait3A_959 = arith.constant 0 : i32
      %dma_wait3A_960 = tpu.memref_slice %arg6[%dma_wait3A_956, %dma_wait3A_958, %dma_wait3A_959] : memref<8x128x64xf32, #tpu.memory_space<vmem>> -> memref<1x128x64xf32, #tpu.memory_space<vmem>>
      %dma_wait3A_961 = tpu.memref_squeeze %dma_wait3A_960 : memref<1x128x64xf32, #tpu.memory_space<vmem>> -> memref<128x64xf32, #tpu.memory_space<vmem>>
      %dma_wait3A_962 = arith.constant 0 : i32
      %dma_wait3A_963 = tpu.memref_slice %arg5[%dma_wait3A_955, %dma_wait3A_962] : memref<200x128xi32, #tpu.memory_space<vmem>> -> memref<1x128xi32, #tpu.memory_space<vmem>>
      %dma_wait3A_964 = tpu.memref_squeeze %dma_wait3A_963 : memref<1x128xi32, #tpu.memory_space<vmem>> -> memref<128xi32, #tpu.memory_space<vmem>>
      %dma_wait3A_965 = arith.constant 0 : i32
      %dma_wait3A_966 = arith.constant 0 : i32
      %dma_wait3A_967 = tpu.memref_slice %arg3[%dma_wait3A_965, %dma_wait3A_966] : memref<1000000x64xf32, #tpu.memory_space<hbm>> -> memref<1000000x64xf32, #tpu.memory_space<hbm>>
      %dma_wait3A_968 = tpu.memref_slice %arg7[%dma_wait3A_957] : memref<8x!tpu.dma_semaphore, #tpu.memory_space<semaphore_mem>> -> memref<1x!tpu.dma_semaphore, #tpu.memory_space<semaphore_mem>>
      %dma_wait3A_969 = tpu.memref_squeeze %dma_wait3A_968 : memref<1x!tpu.dma_semaphore, #tpu.memory_space<semaphore_mem>> -> memref<!tpu.dma_semaphore, #tpu.memory_space<semaphore_mem>>
      tpu.wait_indirect_dma semaphore(%dma_wait3A_969 : memref<!tpu.dma_semaphore, #tpu.memory_space<semaphore_mem>>) src(%dma_wait3A_967 : memref<1000000x64xf32, #tpu.memory_space<hbm>>) dst(%dma_wait3A_961 : memref<128x64xf32, #tpu.memory_space<vmem>>)
      %add3A_970 = arith.constant 5 : i32
      %add3A_971 = arith.addi %add3A_557, %add3A_970 : i32
      %dma_start3A_972 = arith.constant 1 : i32
      %dma_start3A_973 = arith.constant 1 : i32
      %dma_start3A_974 = arith.constant 0 : i32
      %dma_start3A_975 = arith.constant 0 : i32
      %dma_start3A_976 = tpu.memref_slice %arg6[%dma_start3A_972, %dma_start3A_974, %dma_start3A_975] : memref<8x128x64xf32, #tpu.memory_space<vmem>> -> memref<1x128x64xf32, #tpu.memory_space<vmem>>
      %dma_start3A_977 = tpu.memref_squeeze %dma_start3A_976 : memref<1x128x64xf32, #tpu.memory_space<vmem>> -> memref<128x64xf32, #tpu.memory_space<vmem>>
      %dma_start3A_978 = arith.constant 0 : i32
      %dma_start3A_979 = tpu.memref_slice %arg4[%mul3A_2, %add3A_971, %dma_start3A_978] : memref<4096x200x64xf32, #tpu.memory_space<hbm>> -> memref<128x1x64xf32, #tpu.memory_space<hbm>>
      %dma_start3A_980 = tpu.memref_squeeze %dma_start3A_979 : memref<128x1x64xf32, #tpu.memory_space<hbm>> -> memref<128x64xf32, #tpu.memory_space<hbm>>
      %dma_start3A_981 = tpu.memref_slice %arg8[%dma_start3A_973] : memref<8x!tpu.dma_semaphore, #tpu.memory_space<semaphore_mem>> -> memref<1x!tpu.dma_semaphore, #tpu.memory_space<semaphore_mem>>
      %dma_start3A_982 = tpu.memref_squeeze %dma_start3A_981 : memref<1x!tpu.dma_semaphore, #tpu.memory_space<semaphore_mem>> -> memref<!tpu.dma_semaphore, #tpu.memory_space<semaphore_mem>>
      %dma_start3A_983 = arith.constant 0 : i32
      %dma_start3A_984 = tpu.memref_slice %arg4[%mul3A_2, %add3A_971, %dma_start3A_983] : memref<4096x200x64xf32, #tpu.memory_space<hbm>> -> memref<128x1x64xf32, #tpu.memory_space<hbm>>
      %dma_start3A_985 = tpu.memref_squeeze %dma_start3A_984 : memref<128x1x64xf32, #tpu.memory_space<hbm>> -> memref<128x64xf32, #tpu.memory_space<hbm>>
      %dma_start3A_986 = arith.constant 0 : i32
      %dma_start3A_987 = arith.constant 0 : i32
      %dma_start3A_988 = tpu.memref_slice %arg6[%dma_start3A_972, %dma_start3A_986, %dma_start3A_987] : memref<8x128x64xf32, #tpu.memory_space<vmem>> -> memref<1x128x64xf32, #tpu.memory_space<vmem>>
      %dma_start3A_989 = tpu.memref_squeeze %dma_start3A_988 : memref<1x128x64xf32, #tpu.memory_space<vmem>> -> memref<128x64xf32, #tpu.memory_space<vmem>>
      tpu.enqueue_dma source(%dma_start3A_989 : memref<128x64xf32, #tpu.memory_space<vmem>>) target(%dma_start3A_985 : memref<128x64xf32, #tpu.memory_space<hbm>>) target_semaphore(%dma_start3A_982 : memref<!tpu.dma_semaphore, #tpu.memory_space<semaphore_mem>>)
      %dma_wait3A_990 = arith.constant 6 : i32
      %dma_wait3A_991 = arith.constant 0 : i32
      %dma_wait3A_992 = arith.constant 6 : i32
      %dma_wait3A_993 = arith.constant 0 : i32
      %dma_wait3A_994 = arith.constant 0 : i32
      %dma_wait3A_995 = tpu.memref_slice %arg6[%dma_wait3A_990, %dma_wait3A_993, %dma_wait3A_994] : memref<8x128x64xf32, #tpu.memory_space<vmem>> -> memref<1x128x64xf32, #tpu.memory_space<vmem>>
      %dma_wait3A_996 = tpu.memref_squeeze %dma_wait3A_995 : memref<1x128x64xf32, #tpu.memory_space<vmem>> -> memref<128x64xf32, #tpu.memory_space<vmem>>
      %dma_wait3A_997 = arith.constant 0 : i32
      %dma_wait3A_998 = tpu.memref_slice %arg4[%mul3A_2, %dma_wait3A_991, %dma_wait3A_997] : memref<4096x200x64xf32, #tpu.memory_space<hbm>> -> memref<128x1x64xf32, #tpu.memory_space<hbm>>
      %dma_wait3A_999 = tpu.memref_squeeze %dma_wait3A_998 : memref<128x1x64xf32, #tpu.memory_space<hbm>> -> memref<128x64xf32, #tpu.memory_space<hbm>>
      %dma_wait3A_1000 = tpu.memref_slice %arg8[%dma_wait3A_992] : memref<8x!tpu.dma_semaphore, #tpu.memory_space<semaphore_mem>> -> memref<1x!tpu.dma_semaphore, #tpu.memory_space<semaphore_mem>>
      %dma_wait3A_1001 = tpu.memref_squeeze %dma_wait3A_1000 : memref<1x!tpu.dma_semaphore, #tpu.memory_space<semaphore_mem>> -> memref<!tpu.dma_semaphore, #tpu.memory_space<semaphore_mem>>
      %dma_wait3A_1002 = arith.constant 0 : i32
      %dma_wait3A_1003 = tpu.memref_slice %arg4[%mul3A_2, %dma_wait3A_991, %dma_wait3A_1002] : memref<4096x200x64xf32, #tpu.memory_space<hbm>> -> memref<128x1x64xf32, #tpu.memory_space<hbm>>
      %dma_wait3A_1004 = tpu.memref_squeeze %dma_wait3A_1003 : memref<128x1x64xf32, #tpu.memory_space<hbm>> -> memref<128x64xf32, #tpu.memory_space<hbm>>
      %dma_wait3A_1005 = arith.constant 0 : i32
      %dma_wait3A_1006 = arith.constant 0 : i32
      %dma_wait3A_1007 = tpu.memref_slice %arg6[%dma_wait3A_990, %dma_wait3A_1005, %dma_wait3A_1006] : memref<8x128x64xf32, #tpu.memory_space<vmem>> -> memref<1x128x64xf32, #tpu.memory_space<vmem>>
      %dma_wait3A_1008 = tpu.memref_squeeze %dma_wait3A_1007 : memref<1x128x64xf32, #tpu.memory_space<vmem>> -> memref<128x64xf32, #tpu.memory_space<vmem>>
      tpu.wait_dma2 semaphore(%dma_wait3A_1001 : memref<!tpu.dma_semaphore, #tpu.memory_space<semaphore_mem>>) src(%dma_wait3A_1008 : memref<128x64xf32, #tpu.memory_space<vmem>>) dst(%dma_wait3A_1004 : memref<128x64xf32, #tpu.memory_space<hbm>>)
      %add3A_1009 = arith.constant 4 : i32
      %add3A_1010 = arith.addi %add3A_557, %add3A_1009 : i32
      %add3A_1011 = arith.constant 6 : i32
      %add3A_1012 = arith.addi %add3A_1010, %add3A_1011 : i32
      %dma_start3A_1013 = arith.constant 6 : i32
      %dma_start3A_1014 = arith.constant 6 : i32
      %dma_start3A_1015 = arith.constant 0 : i32
      %dma_start3A_1016 = arith.constant 0 : i32
      %dma_start3A_1017 = tpu.memref_slice %arg6[%dma_start3A_1013, %dma_start3A_1015, %dma_start3A_1016] : memref<8x128x64xf32, #tpu.memory_space<vmem>> -> memref<1x128x64xf32, #tpu.memory_space<vmem>>
      %dma_start3A_1018 = tpu.memref_squeeze %dma_start3A_1017 : memref<1x128x64xf32, #tpu.memory_space<vmem>> -> memref<128x64xf32, #tpu.memory_space<vmem>>
      %dma_start3A_1019 = arith.constant 0 : i32
      %dma_start3A_1020 = tpu.memref_slice %arg5[%add3A_1012, %dma_start3A_1019] : memref<200x128xi32, #tpu.memory_space<vmem>> -> memref<1x128xi32, #tpu.memory_space<vmem>>
      %dma_start3A_1021 = tpu.memref_squeeze %dma_start3A_1020 : memref<1x128xi32, #tpu.memory_space<vmem>> -> memref<128xi32, #tpu.memory_space<vmem>>
      %dma_start3A_1022 = arith.constant 0 : i32
      %dma_start3A_1023 = arith.constant 0 : i32
      %dma_start3A_1024 = tpu.memref_slice %arg3[%dma_start3A_1022, %dma_start3A_1023] : memref<1000000x64xf32, #tpu.memory_space<hbm>> -> memref<1000000x64xf32, #tpu.memory_space<hbm>>
      %dma_start3A_1025 = tpu.memref_slice %arg7[%dma_start3A_1014] : memref<8x!tpu.dma_semaphore, #tpu.memory_space<semaphore_mem>> -> memref<1x!tpu.dma_semaphore, #tpu.memory_space<semaphore_mem>>
      %dma_start3A_1026 = tpu.memref_squeeze %dma_start3A_1025 : memref<1x!tpu.dma_semaphore, #tpu.memory_space<semaphore_mem>> -> memref<!tpu.dma_semaphore, #tpu.memory_space<semaphore_mem>>
      tpu.enqueue_indirect_dma source(%dma_start3A_1024 : memref<1000000x64xf32, #tpu.memory_space<hbm>>) target(%dma_start3A_1018 : memref<128x64xf32, #tpu.memory_space<vmem>>) offsets(%dma_start3A_1021 : memref<128xi32, #tpu.memory_space<vmem>>) semaphore(%dma_start3A_1026 : memref<!tpu.dma_semaphore, #tpu.memory_space<semaphore_mem>>)
      %dma_wait3A_1027 = arith.constant 0 : i32
      %dma_wait3A_1028 = arith.constant 2 : i32
      %dma_wait3A_1029 = arith.constant 2 : i32
      %dma_wait3A_1030 = arith.constant 0 : i32
      %dma_wait3A_1031 = arith.constant 0 : i32
      %dma_wait3A_1032 = tpu.memref_slice %arg6[%dma_wait3A_1028, %dma_wait3A_1030, %dma_wait3A_1031] : memref<8x128x64xf32, #tpu.memory_space<vmem>> -> memref<1x128x64xf32, #tpu.memory_space<vmem>>
      %dma_wait3A_1033 = tpu.memref_squeeze %dma_wait3A_1032 : memref<1x128x64xf32, #tpu.memory_space<vmem>> -> memref<128x64xf32, #tpu.memory_space<vmem>>
      %dma_wait3A_1034 = arith.constant 0 : i32
      %dma_wait3A_1035 = tpu.memref_slice %arg5[%dma_wait3A_1027, %dma_wait3A_1034] : memref<200x128xi32, #tpu.memory_space<vmem>> -> memref<1x128xi32, #tpu.memory_space<vmem>>
      %dma_wait3A_1036 = tpu.memref_squeeze %dma_wait3A_1035 : memref<1x128xi32, #tpu.memory_space<vmem>> -> memref<128xi32, #tpu.memory_space<vmem>>
      %dma_wait3A_1037 = arith.constant 0 : i32
      %dma_wait3A_1038 = arith.constant 0 : i32
      %dma_wait3A_1039 = tpu.memref_slice %arg3[%dma_wait3A_1037, %dma_wait3A_1038] : memref<1000000x64xf32, #tpu.memory_space<hbm>> -> memref<1000000x64xf32, #tpu.memory_space<hbm>>
      %dma_wait3A_1040 = tpu.memref_slice %arg7[%dma_wait3A_1029] : memref<8x!tpu.dma_semaphore, #tpu.memory_space<semaphore_mem>> -> memref<1x!tpu.dma_semaphore, #tpu.memory_space<semaphore_mem>>
      %dma_wait3A_1041 = tpu.memref_squeeze %dma_wait3A_1040 : memref<1x!tpu.dma_semaphore, #tpu.memory_space<semaphore_mem>> -> memref<!tpu.dma_semaphore, #tpu.memory_space<semaphore_mem>>
      tpu.wait_indirect_dma semaphore(%dma_wait3A_1041 : memref<!tpu.dma_semaphore, #tpu.memory_space<semaphore_mem>>) src(%dma_wait3A_1039 : memref<1000000x64xf32, #tpu.memory_space<hbm>>) dst(%dma_wait3A_1033 : memref<128x64xf32, #tpu.memory_space<vmem>>)
      %add3A_1042 = arith.constant 6 : i32
      %add3A_1043 = arith.addi %add3A_557, %add3A_1042 : i32
      %dma_start3A_1044 = arith.constant 2 : i32
      %dma_start3A_1045 = arith.constant 2 : i32
      %dma_start3A_1046 = arith.constant 0 : i32
      %dma_start3A_1047 = arith.constant 0 : i32
      %dma_start3A_1048 = tpu.memref_slice %arg6[%dma_start3A_1044, %dma_start3A_1046, %dma_start3A_1047] : memref<8x128x64xf32, #tpu.memory_space<vmem>> -> memref<1x128x64xf32, #tpu.memory_space<vmem>>
      %dma_start3A_1049 = tpu.memref_squeeze %dma_start3A_1048 : memref<1x128x64xf32, #tpu.memory_space<vmem>> -> memref<128x64xf32, #tpu.memory_space<vmem>>
      %dma_start3A_1050 = arith.constant 0 : i32
      %dma_start3A_1051 = tpu.memref_slice %arg4[%mul3A_2, %add3A_1043, %dma_start3A_1050] : memref<4096x200x64xf32, #tpu.memory_space<hbm>> -> memref<128x1x64xf32, #tpu.memory_space<hbm>>
      %dma_start3A_1052 = tpu.memref_squeeze %dma_start3A_1051 : memref<128x1x64xf32, #tpu.memory_space<hbm>> -> memref<128x64xf32, #tpu.memory_space<hbm>>
      %dma_start3A_1053 = tpu.memref_slice %arg8[%dma_start3A_1045] : memref<8x!tpu.dma_semaphore, #tpu.memory_space<semaphore_mem>> -> memref<1x!tpu.dma_semaphore, #tpu.memory_space<semaphore_mem>>
      %dma_start3A_1054 = tpu.memref_squeeze %dma_start3A_1053 : memref<1x!tpu.dma_semaphore, #tpu.memory_space<semaphore_mem>> -> memref<!tpu.dma_semaphore, #tpu.memory_space<semaphore_mem>>
      %dma_start3A_1055 = arith.constant 0 : i32
      %dma_start3A_1056 = tpu.memref_slice %arg4[%mul3A_2, %add3A_1043, %dma_start3A_1055] : memref<4096x200x64xf32, #tpu.memory_space<hbm>> -> memref<128x1x64xf32, #tpu.memory_space<hbm>>
      %dma_start3A_1057 = tpu.memref_squeeze %dma_start3A_1056 : memref<128x1x64xf32, #tpu.memory_space<hbm>> -> memref<128x64xf32, #tpu.memory_space<hbm>>
      %dma_start3A_1058 = arith.constant 0 : i32
      %dma_start3A_1059 = arith.constant 0 : i32
      %dma_start3A_1060 = tpu.memref_slice %arg6[%dma_start3A_1044, %dma_start3A_1058, %dma_start3A_1059] : memref<8x128x64xf32, #tpu.memory_space<vmem>> -> memref<1x128x64xf32, #tpu.memory_space<vmem>>
      %dma_start3A_1061 = tpu.memref_squeeze %dma_start3A_1060 : memref<1x128x64xf32, #tpu.memory_space<vmem>> -> memref<128x64xf32, #tpu.memory_space<vmem>>
      tpu.enqueue_dma source(%dma_start3A_1061 : memref<128x64xf32, #tpu.memory_space<vmem>>) target(%dma_start3A_1057 : memref<128x64xf32, #tpu.memory_space<hbm>>) target_semaphore(%dma_start3A_1054 : memref<!tpu.dma_semaphore, #tpu.memory_space<semaphore_mem>>)
      %dma_wait3A_1062 = arith.constant 7 : i32
      %dma_wait3A_1063 = arith.constant 0 : i32
      %dma_wait3A_1064 = arith.constant 7 : i32
      %dma_wait3A_1065 = arith.constant 0 : i32
      %dma_wait3A_1066 = arith.constant 0 : i32
      %dma_wait3A_1067 = tpu.memref_slice %arg6[%dma_wait3A_1062, %dma_wait3A_1065, %dma_wait3A_1066] : memref<8x128x64xf32, #tpu.memory_space<vmem>> -> memref<1x128x64xf32, #tpu.memory_space<vmem>>
      %dma_wait3A_1068 = tpu.memref_squeeze %dma_wait3A_1067 : memref<1x128x64xf32, #tpu.memory_space<vmem>> -> memref<128x64xf32, #tpu.memory_space<vmem>>
      %dma_wait3A_1069 = arith.constant 0 : i32
      %dma_wait3A_1070 = tpu.memref_slice %arg4[%mul3A_2, %dma_wait3A_1063, %dma_wait3A_1069] : memref<4096x200x64xf32, #tpu.memory_space<hbm>> -> memref<128x1x64xf32, #tpu.memory_space<hbm>>
      %dma_wait3A_1071 = tpu.memref_squeeze %dma_wait3A_1070 : memref<128x1x64xf32, #tpu.memory_space<hbm>> -> memref<128x64xf32, #tpu.memory_space<hbm>>
      %dma_wait3A_1072 = tpu.memref_slice %arg8[%dma_wait3A_1064] : memref<8x!tpu.dma_semaphore, #tpu.memory_space<semaphore_mem>> -> memref<1x!tpu.dma_semaphore, #tpu.memory_space<semaphore_mem>>
      %dma_wait3A_1073 = tpu.memref_squeeze %dma_wait3A_1072 : memref<1x!tpu.dma_semaphore, #tpu.memory_space<semaphore_mem>> -> memref<!tpu.dma_semaphore, #tpu.memory_space<semaphore_mem>>
      %dma_wait3A_1074 = arith.constant 0 : i32
      %dma_wait3A_1075 = tpu.memref_slice %arg4[%mul3A_2, %dma_wait3A_1063, %dma_wait3A_1074] : memref<4096x200x64xf32, #tpu.memory_space<hbm>> -> memref<128x1x64xf32, #tpu.memory_space<hbm>>
      %dma_wait3A_1076 = tpu.memref_squeeze %dma_wait3A_1075 : memref<128x1x64xf32, #tpu.memory_space<hbm>> -> memref<128x64xf32, #tpu.memory_space<hbm>>
      %dma_wait3A_1077 = arith.constant 0 : i32
      %dma_wait3A_1078 = arith.constant 0 : i32
      %dma_wait3A_1079 = tpu.memref_slice %arg6[%dma_wait3A_1062, %dma_wait3A_1077, %dma_wait3A_1078] : memref<8x128x64xf32, #tpu.memory_space<vmem>> -> memref<1x128x64xf32, #tpu.memory_space<vmem>>
      %dma_wait3A_1080 = tpu.memref_squeeze %dma_wait3A_1079 : memref<1x128x64xf32, #tpu.memory_space<vmem>> -> memref<128x64xf32, #tpu.memory_space<vmem>>
      tpu.wait_dma2 semaphore(%dma_wait3A_1073 : memref<!tpu.dma_semaphore, #tpu.memory_space<semaphore_mem>>) src(%dma_wait3A_1080 : memref<128x64xf32, #tpu.memory_space<vmem>>) dst(%dma_wait3A_1076 : memref<128x64xf32, #tpu.memory_space<hbm>>)
      %add3A_1081 = arith.constant 4 : i32
      %add3A_1082 = arith.addi %add3A_557, %add3A_1081 : i32
      %add3A_1083 = arith.constant 7 : i32
      %add3A_1084 = arith.addi %add3A_1082, %add3A_1083 : i32
      %dma_start3A_1085 = arith.constant 7 : i32
      %dma_start3A_1086 = arith.constant 7 : i32
      %dma_start3A_1087 = arith.constant 0 : i32
      %dma_start3A_1088 = arith.constant 0 : i32
      %dma_start3A_1089 = tpu.memref_slice %arg6[%dma_start3A_1085, %dma_start3A_1087, %dma_start3A_1088] : memref<8x128x64xf32, #tpu.memory_space<vmem>> -> memref<1x128x64xf32, #tpu.memory_space<vmem>>
      %dma_start3A_1090 = tpu.memref_squeeze %dma_start3A_1089 : memref<1x128x64xf32, #tpu.memory_space<vmem>> -> memref<128x64xf32, #tpu.memory_space<vmem>>
      %dma_start3A_1091 = arith.constant 0 : i32
      %dma_start3A_1092 = tpu.memref_slice %arg5[%add3A_1084, %dma_start3A_1091] : memref<200x128xi32, #tpu.memory_space<vmem>> -> memref<1x128xi32, #tpu.memory_space<vmem>>
      %dma_start3A_1093 = tpu.memref_squeeze %dma_start3A_1092 : memref<1x128xi32, #tpu.memory_space<vmem>> -> memref<128xi32, #tpu.memory_space<vmem>>
      %dma_start3A_1094 = arith.constant 0 : i32
      %dma_start3A_1095 = arith.constant 0 : i32
      %dma_start3A_1096 = tpu.memref_slice %arg3[%dma_start3A_1094, %dma_start3A_1095] : memref<1000000x64xf32, #tpu.memory_space<hbm>> -> memref<1000000x64xf32, #tpu.memory_space<hbm>>
      %dma_start3A_1097 = tpu.memref_slice %arg7[%dma_start3A_1086] : memref<8x!tpu.dma_semaphore, #tpu.memory_space<semaphore_mem>> -> memref<1x!tpu.dma_semaphore, #tpu.memory_space<semaphore_mem>>
      %dma_start3A_1098 = tpu.memref_squeeze %dma_start3A_1097 : memref<1x!tpu.dma_semaphore, #tpu.memory_space<semaphore_mem>> -> memref<!tpu.dma_semaphore, #tpu.memory_space<semaphore_mem>>
      tpu.enqueue_indirect_dma source(%dma_start3A_1096 : memref<1000000x64xf32, #tpu.memory_space<hbm>>) target(%dma_start3A_1090 : memref<128x64xf32, #tpu.memory_space<vmem>>) offsets(%dma_start3A_1093 : memref<128xi32, #tpu.memory_space<vmem>>) semaphore(%dma_start3A_1098 : memref<!tpu.dma_semaphore, #tpu.memory_space<semaphore_mem>>)
      %dma_wait3A_1099 = arith.constant 0 : i32
      %dma_wait3A_1100 = arith.constant 3 : i32
      %dma_wait3A_1101 = arith.constant 3 : i32
      %dma_wait3A_1102 = arith.constant 0 : i32
      %dma_wait3A_1103 = arith.constant 0 : i32
      %dma_wait3A_1104 = tpu.memref_slice %arg6[%dma_wait3A_1100, %dma_wait3A_1102, %dma_wait3A_1103] : memref<8x128x64xf32, #tpu.memory_space<vmem>> -> memref<1x128x64xf32, #tpu.memory_space<vmem>>
      %dma_wait3A_1105 = tpu.memref_squeeze %dma_wait3A_1104 : memref<1x128x64xf32, #tpu.memory_space<vmem>> -> memref<128x64xf32, #tpu.memory_space<vmem>>
      %dma_wait3A_1106 = arith.constant 0 : i32
      %dma_wait3A_1107 = tpu.memref_slice %arg5[%dma_wait3A_1099, %dma_wait3A_1106] : memref<200x128xi32, #tpu.memory_space<vmem>> -> memref<1x128xi32, #tpu.memory_space<vmem>>
      %dma_wait3A_1108 = tpu.memref_squeeze %dma_wait3A_1107 : memref<1x128xi32, #tpu.memory_space<vmem>> -> memref<128xi32, #tpu.memory_space<vmem>>
      %dma_wait3A_1109 = arith.constant 0 : i32
      %dma_wait3A_1110 = arith.constant 0 : i32
      %dma_wait3A_1111 = tpu.memref_slice %arg3[%dma_wait3A_1109, %dma_wait3A_1110] : memref<1000000x64xf32, #tpu.memory_space<hbm>> -> memref<1000000x64xf32, #tpu.memory_space<hbm>>
      %dma_wait3A_1112 = tpu.memref_slice %arg7[%dma_wait3A_1101] : memref<8x!tpu.dma_semaphore, #tpu.memory_space<semaphore_mem>> -> memref<1x!tpu.dma_semaphore, #tpu.memory_space<semaphore_mem>>
      %dma_wait3A_1113 = tpu.memref_squeeze %dma_wait3A_1112 : memref<1x!tpu.dma_semaphore, #tpu.memory_space<semaphore_mem>> -> memref<!tpu.dma_semaphore, #tpu.memory_space<semaphore_mem>>
      tpu.wait_indirect_dma semaphore(%dma_wait3A_1113 : memref<!tpu.dma_semaphore, #tpu.memory_space<semaphore_mem>>) src(%dma_wait3A_1111 : memref<1000000x64xf32, #tpu.memory_space<hbm>>) dst(%dma_wait3A_1105 : memref<128x64xf32, #tpu.memory_space<vmem>>)
      %add3A_1114 = arith.constant 7 : i32
      %add3A_1115 = arith.addi %add3A_557, %add3A_1114 : i32
      %dma_start3A_1116 = arith.constant 3 : i32
      %dma_start3A_1117 = arith.constant 3 : i32
      %dma_start3A_1118 = arith.constant 0 : i32
      %dma_start3A_1119 = arith.constant 0 : i32
      %dma_start3A_1120 = tpu.memref_slice %arg6[%dma_start3A_1116, %dma_start3A_1118, %dma_start3A_1119] : memref<8x128x64xf32, #tpu.memory_space<vmem>> -> memref<1x128x64xf32, #tpu.memory_space<vmem>>
      %dma_start3A_1121 = tpu.memref_squeeze %dma_start3A_1120 : memref<1x128x64xf32, #tpu.memory_space<vmem>> -> memref<128x64xf32, #tpu.memory_space<vmem>>
      %dma_start3A_1122 = arith.constant 0 : i32
      %dma_start3A_1123 = tpu.memref_slice %arg4[%mul3A_2, %add3A_1115, %dma_start3A_1122] : memref<4096x200x64xf32, #tpu.memory_space<hbm>> -> memref<128x1x64xf32, #tpu.memory_space<hbm>>
      %dma_start3A_1124 = tpu.memref_squeeze %dma_start3A_1123 : memref<128x1x64xf32, #tpu.memory_space<hbm>> -> memref<128x64xf32, #tpu.memory_space<hbm>>
      %dma_start3A_1125 = tpu.memref_slice %arg8[%dma_start3A_1117] : memref<8x!tpu.dma_semaphore, #tpu.memory_space<semaphore_mem>> -> memref<1x!tpu.dma_semaphore, #tpu.memory_space<semaphore_mem>>
      %dma_start3A_1126 = tpu.memref_squeeze %dma_start3A_1125 : memref<1x!tpu.dma_semaphore, #tpu.memory_space<semaphore_mem>> -> memref<!tpu.dma_semaphore, #tpu.memory_space<semaphore_mem>>
      %dma_start3A_1127 = arith.constant 0 : i32
      %dma_start3A_1128 = tpu.memref_slice %arg4[%mul3A_2, %add3A_1115, %dma_start3A_1127] : memref<4096x200x64xf32, #tpu.memory_space<hbm>> -> memref<128x1x64xf32, #tpu.memory_space<hbm>>
      %dma_start3A_1129 = tpu.memref_squeeze %dma_start3A_1128 : memref<128x1x64xf32, #tpu.memory_space<hbm>> -> memref<128x64xf32, #tpu.memory_space<hbm>>
      %dma_start3A_1130 = arith.constant 0 : i32
      %dma_start3A_1131 = arith.constant 0 : i32
      %dma_start3A_1132 = tpu.memref_slice %arg6[%dma_start3A_1116, %dma_start3A_1130, %dma_start3A_1131] : memref<8x128x64xf32, #tpu.memory_space<vmem>> -> memref<1x128x64xf32, #tpu.memory_space<vmem>>
      %dma_start3A_1133 = tpu.memref_squeeze %dma_start3A_1132 : memref<1x128x64xf32, #tpu.memory_space<vmem>> -> memref<128x64xf32, #tpu.memory_space<vmem>>
      tpu.enqueue_dma source(%dma_start3A_1133 : memref<128x64xf32, #tpu.memory_space<vmem>>) target(%dma_start3A_1129 : memref<128x64xf32, #tpu.memory_space<hbm>>) target_semaphore(%dma_start3A_1126 : memref<!tpu.dma_semaphore, #tpu.memory_space<semaphore_mem>>)
    }
    %scan3A_260 = arith.constant 24 : i32
    %dma_wait3A_261 = arith.constant 0 : i32
    %dma_wait3A_262 = arith.constant 4 : i32
    %dma_wait3A_263 = arith.constant 4 : i32
    %dma_wait3A_264 = arith.constant 0 : i32
    %dma_wait3A_265 = arith.constant 0 : i32
    %dma_wait3A_266 = tpu.memref_slice %arg6[%dma_wait3A_262, %dma_wait3A_264, %dma_wait3A_265] : memref<8x128x64xf32, #tpu.memory_space<vmem>> -> memref<1x128x64xf32, #tpu.memory_space<vmem>>
    %dma_wait3A_267 = tpu.memref_squeeze %dma_wait3A_266 : memref<1x128x64xf32, #tpu.memory_space<vmem>> -> memref<128x64xf32, #tpu.memory_space<vmem>>
    %dma_wait3A_268 = arith.constant 0 : i32
    %dma_wait3A_269 = tpu.memref_slice %arg5[%dma_wait3A_261, %dma_wait3A_268] : memref<200x128xi32, #tpu.memory_space<vmem>> -> memref<1x128xi32, #tpu.memory_space<vmem>>
    %dma_wait3A_270 = tpu.memref_squeeze %dma_wait3A_269 : memref<1x128xi32, #tpu.memory_space<vmem>> -> memref<128xi32, #tpu.memory_space<vmem>>
    %dma_wait3A_271 = arith.constant 0 : i32
    %dma_wait3A_272 = arith.constant 0 : i32
    %dma_wait3A_273 = tpu.memref_slice %arg3[%dma_wait3A_271, %dma_wait3A_272] : memref<1000000x64xf32, #tpu.memory_space<hbm>> -> memref<1000000x64xf32, #tpu.memory_space<hbm>>
    %dma_wait3A_274 = tpu.memref_slice %arg7[%dma_wait3A_263] : memref<8x!tpu.dma_semaphore, #tpu.memory_space<semaphore_mem>> -> memref<1x!tpu.dma_semaphore, #tpu.memory_space<semaphore_mem>>
    %dma_wait3A_275 = tpu.memref_squeeze %dma_wait3A_274 : memref<1x!tpu.dma_semaphore, #tpu.memory_space<semaphore_mem>> -> memref<!tpu.dma_semaphore, #tpu.memory_space<semaphore_mem>>
    tpu.wait_indirect_dma semaphore(%dma_wait3A_275 : memref<!tpu.dma_semaphore, #tpu.memory_space<semaphore_mem>>) src(%dma_wait3A_273 : memref<1000000x64xf32, #tpu.memory_space<hbm>>) dst(%dma_wait3A_267 : memref<128x64xf32, #tpu.memory_space<vmem>>)
    %dma_start3A_276 = arith.constant 4 : i32
    %dma_start3A_277 = arith.constant 196 : i32
    %dma_start3A_278 = arith.constant 4 : i32
    %dma_start3A_279 = arith.constant 0 : i32
    %dma_start3A_280 = arith.constant 0 : i32
    %dma_start3A_281 = tpu.memref_slice %arg6[%dma_start3A_276, %dma_start3A_279, %dma_start3A_280] : memref<8x128x64xf32, #tpu.memory_space<vmem>> -> memref<1x128x64xf32, #tpu.memory_space<vmem>>
    %dma_start3A_282 = tpu.memref_squeeze %dma_start3A_281 : memref<1x128x64xf32, #tpu.memory_space<vmem>> -> memref<128x64xf32, #tpu.memory_space<vmem>>
    %dma_start3A_283 = arith.constant 0 : i32
    %dma_start3A_284 = tpu.memref_slice %arg4[%mul3A_2, %dma_start3A_277, %dma_start3A_283] : memref<4096x200x64xf32, #tpu.memory_space<hbm>> -> memref<128x1x64xf32, #tpu.memory_space<hbm>>
    %dma_start3A_285 = tpu.memref_squeeze %dma_start3A_284 : memref<128x1x64xf32, #tpu.memory_space<hbm>> -> memref<128x64xf32, #tpu.memory_space<hbm>>
    %dma_start3A_286 = tpu.memref_slice %arg8[%dma_start3A_278] : memref<8x!tpu.dma_semaphore, #tpu.memory_space<semaphore_mem>> -> memref<1x!tpu.dma_semaphore, #tpu.memory_space<semaphore_mem>>
    %dma_start3A_287 = tpu.memref_squeeze %dma_start3A_286 : memref<1x!tpu.dma_semaphore, #tpu.memory_space<semaphore_mem>> -> memref<!tpu.dma_semaphore, #tpu.memory_space<semaphore_mem>>
    %dma_start3A_288 = arith.constant 0 : i32
    %dma_start3A_289 = tpu.memref_slice %arg4[%mul3A_2, %dma_start3A_277, %dma_start3A_288] : memref<4096x200x64xf32, #tpu.memory_space<hbm>> -> memref<128x1x64xf32, #tpu.memory_space<hbm>>
    %dma_start3A_290 = tpu.memref_squeeze %dma_start3A_289 : memref<128x1x64xf32, #tpu.memory_space<hbm>> -> memref<128x64xf32, #tpu.memory_space<hbm>>
    %dma_start3A_291 = arith.constant 0 : i32
    %dma_start3A_292 = arith.constant 0 : i32
    %dma_start3A_293 = tpu.memref_slice %arg6[%dma_start3A_276, %dma_start3A_291, %dma_start3A_292] : memref<8x128x64xf32, #tpu.memory_space<vmem>> -> memref<1x128x64xf32, #tpu.memory_space<vmem>>
    %dma_start3A_294 = tpu.memref_squeeze %dma_start3A_293 : memref<1x128x64xf32, #tpu.memory_space<vmem>> -> memref<128x64xf32, #tpu.memory_space<vmem>>
    tpu.enqueue_dma source(%dma_start3A_294 : memref<128x64xf32, #tpu.memory_space<vmem>>) target(%dma_start3A_290 : memref<128x64xf32, #tpu.memory_space<hbm>>) target_semaphore(%dma_start3A_287 : memref<!tpu.dma_semaphore, #tpu.memory_space<semaphore_mem>>)
    %dma_wait3A_295 = arith.constant 0 : i32
    %dma_wait3A_296 = arith.constant 5 : i32
    %dma_wait3A_297 = arith.constant 5 : i32
    %dma_wait3A_298 = arith.constant 0 : i32
    %dma_wait3A_299 = arith.constant 0 : i32
    %dma_wait3A_300 = tpu.memref_slice %arg6[%dma_wait3A_296, %dma_wait3A_298, %dma_wait3A_299] : memref<8x128x64xf32, #tpu.memory_space<vmem>> -> memref<1x128x64xf32, #tpu.memory_space<vmem>>
    %dma_wait3A_301 = tpu.memref_squeeze %dma_wait3A_300 : memref<1x128x64xf32, #tpu.memory_space<vmem>> -> memref<128x64xf32, #tpu.memory_space<vmem>>
    %dma_wait3A_302 = arith.constant 0 : i32
    %dma_wait3A_303 = tpu.memref_slice %arg5[%dma_wait3A_295, %dma_wait3A_302] : memref<200x128xi32, #tpu.memory_space<vmem>> -> memref<1x128xi32, #tpu.memory_space<vmem>>
    %dma_wait3A_304 = tpu.memref_squeeze %dma_wait3A_303 : memref<1x128xi32, #tpu.memory_space<vmem>> -> memref<128xi32, #tpu.memory_space<vmem>>
    %dma_wait3A_305 = arith.constant 0 : i32
    %dma_wait3A_306 = arith.constant 0 : i32
    %dma_wait3A_307 = tpu.memref_slice %arg3[%dma_wait3A_305, %dma_wait3A_306] : memref<1000000x64xf32, #tpu.memory_space<hbm>> -> memref<1000000x64xf32, #tpu.memory_space<hbm>>
    %dma_wait3A_308 = tpu.memref_slice %arg7[%dma_wait3A_297] : memref<8x!tpu.dma_semaphore, #tpu.memory_space<semaphore_mem>> -> memref<1x!tpu.dma_semaphore, #tpu.memory_space<semaphore_mem>>
    %dma_wait3A_309 = tpu.memref_squeeze %dma_wait3A_308 : memref<1x!tpu.dma_semaphore, #tpu.memory_space<semaphore_mem>> -> memref<!tpu.dma_semaphore, #tpu.memory_space<semaphore_mem>>
    tpu.wait_indirect_dma semaphore(%dma_wait3A_309 : memref<!tpu.dma_semaphore, #tpu.memory_space<semaphore_mem>>) src(%dma_wait3A_307 : memref<1000000x64xf32, #tpu.memory_space<hbm>>) dst(%dma_wait3A_301 : memref<128x64xf32, #tpu.memory_space<vmem>>)
    %dma_start3A_310 = arith.constant 5 : i32
    %dma_start3A_311 = arith.constant 197 : i32
    %dma_start3A_312 = arith.constant 5 : i32
    %dma_start3A_313 = arith.constant 0 : i32
    %dma_start3A_314 = arith.constant 0 : i32
    %dma_start3A_315 = tpu.memref_slice %arg6[%dma_start3A_310, %dma_start3A_313, %dma_start3A_314] : memref<8x128x64xf32, #tpu.memory_space<vmem>> -> memref<1x128x64xf32, #tpu.memory_space<vmem>>
    %dma_start3A_316 = tpu.memref_squeeze %dma_start3A_315 : memref<1x128x64xf32, #tpu.memory_space<vmem>> -> memref<128x64xf32, #tpu.memory_space<vmem>>
    %dma_start3A_317 = arith.constant 0 : i32
    %dma_start3A_318 = tpu.memref_slice %arg4[%mul3A_2, %dma_start3A_311, %dma_start3A_317] : memref<4096x200x64xf32, #tpu.memory_space<hbm>> -> memref<128x1x64xf32, #tpu.memory_space<hbm>>
    %dma_start3A_319 = tpu.memref_squeeze %dma_start3A_318 : memref<128x1x64xf32, #tpu.memory_space<hbm>> -> memref<128x64xf32, #tpu.memory_space<hbm>>
    %dma_start3A_320 = tpu.memref_slice %arg8[%dma_start3A_312] : memref<8x!tpu.dma_semaphore, #tpu.memory_space<semaphore_mem>> -> memref<1x!tpu.dma_semaphore, #tpu.memory_space<semaphore_mem>>
    %dma_start3A_321 = tpu.memref_squeeze %dma_start3A_320 : memref<1x!tpu.dma_semaphore, #tpu.memory_space<semaphore_mem>> -> memref<!tpu.dma_semaphore, #tpu.memory_space<semaphore_mem>>
    %dma_start3A_322 = arith.constant 0 : i32
    %dma_start3A_323 = tpu.memref_slice %arg4[%mul3A_2, %dma_start3A_311, %dma_start3A_322] : memref<4096x200x64xf32, #tpu.memory_space<hbm>> -> memref<128x1x64xf32, #tpu.memory_space<hbm>>
    %dma_start3A_324 = tpu.memref_squeeze %dma_start3A_323 : memref<128x1x64xf32, #tpu.memory_space<hbm>> -> memref<128x64xf32, #tpu.memory_space<hbm>>
    %dma_start3A_325 = arith.constant 0 : i32
    %dma_start3A_326 = arith.constant 0 : i32
    %dma_start3A_327 = tpu.memref_slice %arg6[%dma_start3A_310, %dma_start3A_325, %dma_start3A_326] : memref<8x128x64xf32, #tpu.memory_space<vmem>> -> memref<1x128x64xf32, #tpu.memory_space<vmem>>
    %dma_start3A_328 = tpu.memref_squeeze %dma_start3A_327 : memref<1x128x64xf32, #tpu.memory_space<vmem>> -> memref<128x64xf32, #tpu.memory_space<vmem>>
    tpu.enqueue_dma source(%dma_start3A_328 : memref<128x64xf32, #tpu.memory_space<vmem>>) target(%dma_start3A_324 : memref<128x64xf32, #tpu.memory_space<hbm>>) target_semaphore(%dma_start3A_321 : memref<!tpu.dma_semaphore, #tpu.memory_space<semaphore_mem>>)
    %dma_wait3A_329 = arith.constant 0 : i32
    %dma_wait3A_330 = arith.constant 6 : i32
    %dma_wait3A_331 = arith.constant 6 : i32
    %dma_wait3A_332 = arith.constant 0 : i32
    %dma_wait3A_333 = arith.constant 0 : i32
    %dma_wait3A_334 = tpu.memref_slice %arg6[%dma_wait3A_330, %dma_wait3A_332, %dma_wait3A_333] : memref<8x128x64xf32, #tpu.memory_space<vmem>> -> memref<1x128x64xf32, #tpu.memory_space<vmem>>
    %dma_wait3A_335 = tpu.memref_squeeze %dma_wait3A_334 : memref<1x128x64xf32, #tpu.memory_space<vmem>> -> memref<128x64xf32, #tpu.memory_space<vmem>>
    %dma_wait3A_336 = arith.constant 0 : i32
    %dma_wait3A_337 = tpu.memref_slice %arg5[%dma_wait3A_329, %dma_wait3A_336] : memref<200x128xi32, #tpu.memory_space<vmem>> -> memref<1x128xi32, #tpu.memory_space<vmem>>
    %dma_wait3A_338 = tpu.memref_squeeze %dma_wait3A_337 : memref<1x128xi32, #tpu.memory_space<vmem>> -> memref<128xi32, #tpu.memory_space<vmem>>
    %dma_wait3A_339 = arith.constant 0 : i32
    %dma_wait3A_340 = arith.constant 0 : i32
    %dma_wait3A_341 = tpu.memref_slice %arg3[%dma_wait3A_339, %dma_wait3A_340] : memref<1000000x64xf32, #tpu.memory_space<hbm>> -> memref<1000000x64xf32, #tpu.memory_space<hbm>>
    %dma_wait3A_342 = tpu.memref_slice %arg7[%dma_wait3A_331] : memref<8x!tpu.dma_semaphore, #tpu.memory_space<semaphore_mem>> -> memref<1x!tpu.dma_semaphore, #tpu.memory_space<semaphore_mem>>
    %dma_wait3A_343 = tpu.memref_squeeze %dma_wait3A_342 : memref<1x!tpu.dma_semaphore, #tpu.memory_space<semaphore_mem>> -> memref<!tpu.dma_semaphore, #tpu.memory_space<semaphore_mem>>
    tpu.wait_indirect_dma semaphore(%dma_wait3A_343 : memref<!tpu.dma_semaphore, #tpu.memory_space<semaphore_mem>>) src(%dma_wait3A_341 : memref<1000000x64xf32, #tpu.memory_space<hbm>>) dst(%dma_wait3A_335 : memref<128x64xf32, #tpu.memory_space<vmem>>)
    %dma_start3A_344 = arith.constant 6 : i32
    %dma_start3A_345 = arith.constant 198 : i32
    %dma_start3A_346 = arith.constant 6 : i32
    %dma_start3A_347 = arith.constant 0 : i32
    %dma_start3A_348 = arith.constant 0 : i32
    %dma_start3A_349 = tpu.memref_slice %arg6[%dma_start3A_344, %dma_start3A_347, %dma_start3A_348] : memref<8x128x64xf32, #tpu.memory_space<vmem>> -> memref<1x128x64xf32, #tpu.memory_space<vmem>>
    %dma_start3A_350 = tpu.memref_squeeze %dma_start3A_349 : memref<1x128x64xf32, #tpu.memory_space<vmem>> -> memref<128x64xf32, #tpu.memory_space<vmem>>
    %dma_start3A_351 = arith.constant 0 : i32
    %dma_start3A_352 = tpu.memref_slice %arg4[%mul3A_2, %dma_start3A_345, %dma_start3A_351] : memref<4096x200x64xf32, #tpu.memory_space<hbm>> -> memref<128x1x64xf32, #tpu.memory_space<hbm>>
    %dma_start3A_353 = tpu.memref_squeeze %dma_start3A_352 : memref<128x1x64xf32, #tpu.memory_space<hbm>> -> memref<128x64xf32, #tpu.memory_space<hbm>>
    %dma_start3A_354 = tpu.memref_slice %arg8[%dma_start3A_346] : memref<8x!tpu.dma_semaphore, #tpu.memory_space<semaphore_mem>> -> memref<1x!tpu.dma_semaphore, #tpu.memory_space<semaphore_mem>>
    %dma_start3A_355 = tpu.memref_squeeze %dma_start3A_354 : memref<1x!tpu.dma_semaphore, #tpu.memory_space<semaphore_mem>> -> memref<!tpu.dma_semaphore, #tpu.memory_space<semaphore_mem>>
    %dma_start3A_356 = arith.constant 0 : i32
    %dma_start3A_357 = tpu.memref_slice %arg4[%mul3A_2, %dma_start3A_345, %dma_start3A_356] : memref<4096x200x64xf32, #tpu.memory_space<hbm>> -> memref<128x1x64xf32, #tpu.memory_space<hbm>>
    %dma_start3A_358 = tpu.memref_squeeze %dma_start3A_357 : memref<128x1x64xf32, #tpu.memory_space<hbm>> -> memref<128x64xf32, #tpu.memory_space<hbm>>
    %dma_start3A_359 = arith.constant 0 : i32
    %dma_start3A_360 = arith.constant 0 : i32
    %dma_start3A_361 = tpu.memref_slice %arg6[%dma_start3A_344, %dma_start3A_359, %dma_start3A_360] : memref<8x128x64xf32, #tpu.memory_space<vmem>> -> memref<1x128x64xf32, #tpu.memory_space<vmem>>
    %dma_start3A_362 = tpu.memref_squeeze %dma_start3A_361 : memref<1x128x64xf32, #tpu.memory_space<vmem>> -> memref<128x64xf32, #tpu.memory_space<vmem>>
    tpu.enqueue_dma source(%dma_start3A_362 : memref<128x64xf32, #tpu.memory_space<vmem>>) target(%dma_start3A_358 : memref<128x64xf32, #tpu.memory_space<hbm>>) target_semaphore(%dma_start3A_355 : memref<!tpu.dma_semaphore, #tpu.memory_space<semaphore_mem>>)
    %dma_wait3A_363 = arith.constant 0 : i32
    %dma_wait3A_364 = arith.constant 7 : i32
    %dma_wait3A_365 = arith.constant 7 : i32
    %dma_wait3A_366 = arith.constant 0 : i32
    %dma_wait3A_367 = arith.constant 0 : i32
    %dma_wait3A_368 = tpu.memref_slice %arg6[%dma_wait3A_364, %dma_wait3A_366, %dma_wait3A_367] : memref<8x128x64xf32, #tpu.memory_space<vmem>> -> memref<1x128x64xf32, #tpu.memory_space<vmem>>
    %dma_wait3A_369 = tpu.memref_squeeze %dma_wait3A_368 : memref<1x128x64xf32, #tpu.memory_space<vmem>> -> memref<128x64xf32, #tpu.memory_space<vmem>>
    %dma_wait3A_370 = arith.constant 0 : i32
    %dma_wait3A_371 = tpu.memref_slice %arg5[%dma_wait3A_363, %dma_wait3A_370] : memref<200x128xi32, #tpu.memory_space<vmem>> -> memref<1x128xi32, #tpu.memory_space<vmem>>
    %dma_wait3A_372 = tpu.memref_squeeze %dma_wait3A_371 : memref<1x128xi32, #tpu.memory_space<vmem>> -> memref<128xi32, #tpu.memory_space<vmem>>
    %dma_wait3A_373 = arith.constant 0 : i32
    %dma_wait3A_374 = arith.constant 0 : i32
    %dma_wait3A_375 = tpu.memref_slice %arg3[%dma_wait3A_373, %dma_wait3A_374] : memref<1000000x64xf32, #tpu.memory_space<hbm>> -> memref<1000000x64xf32, #tpu.memory_space<hbm>>
    %dma_wait3A_376 = tpu.memref_slice %arg7[%dma_wait3A_365] : memref<8x!tpu.dma_semaphore, #tpu.memory_space<semaphore_mem>> -> memref<1x!tpu.dma_semaphore, #tpu.memory_space<semaphore_mem>>
    %dma_wait3A_377 = tpu.memref_squeeze %dma_wait3A_376 : memref<1x!tpu.dma_semaphore, #tpu.memory_space<semaphore_mem>> -> memref<!tpu.dma_semaphore, #tpu.memory_space<semaphore_mem>>
    tpu.wait_indirect_dma semaphore(%dma_wait3A_377 : memref<!tpu.dma_semaphore, #tpu.memory_space<semaphore_mem>>) src(%dma_wait3A_375 : memref<1000000x64xf32, #tpu.memory_space<hbm>>) dst(%dma_wait3A_369 : memref<128x64xf32, #tpu.memory_space<vmem>>)
    %dma_start3A_378 = arith.constant 7 : i32
    %dma_start3A_379 = arith.constant 199 : i32
    %dma_start3A_380 = arith.constant 7 : i32
    %dma_start3A_381 = arith.constant 0 : i32
    %dma_start3A_382 = arith.constant 0 : i32
    %dma_start3A_383 = tpu.memref_slice %arg6[%dma_start3A_378, %dma_start3A_381, %dma_start3A_382] : memref<8x128x64xf32, #tpu.memory_space<vmem>> -> memref<1x128x64xf32, #tpu.memory_space<vmem>>
    %dma_start3A_384 = tpu.memref_squeeze %dma_start3A_383 : memref<1x128x64xf32, #tpu.memory_space<vmem>> -> memref<128x64xf32, #tpu.memory_space<vmem>>
    %dma_start3A_385 = arith.constant 0 : i32
    %dma_start3A_386 = tpu.memref_slice %arg4[%mul3A_2, %dma_start3A_379, %dma_start3A_385] : memref<4096x200x64xf32, #tpu.memory_space<hbm>> -> memref<128x1x64xf32, #tpu.memory_space<hbm>>
    %dma_start3A_387 = tpu.memref_squeeze %dma_start3A_386 : memref<128x1x64xf32, #tpu.memory_space<hbm>> -> memref<128x64xf32, #tpu.memory_space<hbm>>
    %dma_start3A_388 = tpu.memref_slice %arg8[%dma_start3A_380] : memref<8x!tpu.dma_semaphore, #tpu.memory_space<semaphore_mem>> -> memref<1x!tpu.dma_semaphore, #tpu.memory_space<semaphore_mem>>
    %dma_start3A_389 = tpu.memref_squeeze %dma_start3A_388 : memref<1x!tpu.dma_semaphore, #tpu.memory_space<semaphore_mem>> -> memref<!tpu.dma_semaphore, #tpu.memory_space<semaphore_mem>>
    %dma_start3A_390 = arith.constant 0 : i32
    %dma_start3A_391 = tpu.memref_slice %arg4[%mul3A_2, %dma_start3A_379, %dma_start3A_390] : memref<4096x200x64xf32, #tpu.memory_space<hbm>> -> memref<128x1x64xf32, #tpu.memory_space<hbm>>
    %dma_start3A_392 = tpu.memref_squeeze %dma_start3A_391 : memref<128x1x64xf32, #tpu.memory_space<hbm>> -> memref<128x64xf32, #tpu.memory_space<hbm>>
    %dma_start3A_393 = arith.constant 0 : i32
    %dma_start3A_394 = arith.constant 0 : i32
    %dma_start3A_395 = tpu.memref_slice %arg6[%dma_start3A_378, %dma_start3A_393, %dma_start3A_394] : memref<8x128x64xf32, #tpu.memory_space<vmem>> -> memref<1x128x64xf32, #tpu.memory_space<vmem>>
    %dma_start3A_396 = tpu.memref_squeeze %dma_start3A_395 : memref<1x128x64xf32, #tpu.memory_space<vmem>> -> memref<128x64xf32, #tpu.memory_space<vmem>>
    tpu.enqueue_dma source(%dma_start3A_396 : memref<128x64xf32, #tpu.memory_space<vmem>>) target(%dma_start3A_392 : memref<128x64xf32, #tpu.memory_space<hbm>>) target_semaphore(%dma_start3A_389 : memref<!tpu.dma_semaphore, #tpu.memory_space<semaphore_mem>>)
    %dma_wait3A_397 = arith.constant 0 : i32
    %dma_wait3A_398 = arith.constant 0 : i32
    %dma_wait3A_399 = arith.constant 0 : i32
    %dma_wait3A_400 = arith.constant 0 : i32
    %dma_wait3A_401 = arith.constant 0 : i32
    %dma_wait3A_402 = tpu.memref_slice %arg6[%dma_wait3A_397, %dma_wait3A_400, %dma_wait3A_401] : memref<8x128x64xf32, #tpu.memory_space<vmem>> -> memref<1x128x64xf32, #tpu.memory_space<vmem>>
    %dma_wait3A_403 = tpu.memref_squeeze %dma_wait3A_402 : memref<1x128x64xf32, #tpu.memory_space<vmem>> -> memref<128x64xf32, #tpu.memory_space<vmem>>
    %dma_wait3A_404 = arith.constant 0 : i32
    %dma_wait3A_405 = tpu.memref_slice %arg4[%mul3A_2, %dma_wait3A_398, %dma_wait3A_404] : memref<4096x200x64xf32, #tpu.memory_space<hbm>> -> memref<128x1x64xf32, #tpu.memory_space<hbm>>
    %dma_wait3A_406 = tpu.memref_squeeze %dma_wait3A_405 : memref<128x1x64xf32, #tpu.memory_space<hbm>> -> memref<128x64xf32, #tpu.memory_space<hbm>>
    %dma_wait3A_407 = tpu.memref_slice %arg8[%dma_wait3A_399] : memref<8x!tpu.dma_semaphore, #tpu.memory_space<semaphore_mem>> -> memref<1x!tpu.dma_semaphore, #tpu.memory_space<semaphore_mem>>
    %dma_wait3A_408 = tpu.memref_squeeze %dma_wait3A_407 : memref<1x!tpu.dma_semaphore, #tpu.memory_space<semaphore_mem>> -> memref<!tpu.dma_semaphore, #tpu.memory_space<semaphore_mem>>
    %dma_wait3A_409 = arith.constant 0 : i32
    %dma_wait3A_410 = tpu.memref_slice %arg4[%mul3A_2, %dma_wait3A_398, %dma_wait3A_409] : memref<4096x200x64xf32, #tpu.memory_space<hbm>> -> memref<128x1x64xf32, #tpu.memory_space<hbm>>
    %dma_wait3A_411 = tpu.memref_squeeze %dma_wait3A_410 : memref<128x1x64xf32, #tpu.memory_space<hbm>> -> memref<128x64xf32, #tpu.memory_space<hbm>>
    %dma_wait3A_412 = arith.constant 0 : i32
    %dma_wait3A_413 = arith.constant 0 : i32
    %dma_wait3A_414 = tpu.memref_slice %arg6[%dma_wait3A_397, %dma_wait3A_412, %dma_wait3A_413] : memref<8x128x64xf32, #tpu.memory_space<vmem>> -> memref<1x128x64xf32, #tpu.memory_space<vmem>>
    %dma_wait3A_415 = tpu.memref_squeeze %dma_wait3A_414 : memref<1x128x64xf32, #tpu.memory_space<vmem>> -> memref<128x64xf32, #tpu.memory_space<vmem>>
    tpu.wait_dma2 semaphore(%dma_wait3A_408 : memref<!tpu.dma_semaphore, #tpu.memory_space<semaphore_mem>>) src(%dma_wait3A_415 : memref<128x64xf32, #tpu.memory_space<vmem>>) dst(%dma_wait3A_411 : memref<128x64xf32, #tpu.memory_space<hbm>>)
    %dma_wait3A_416 = arith.constant 1 : i32
    %dma_wait3A_417 = arith.constant 0 : i32
    %dma_wait3A_418 = arith.constant 1 : i32
    %dma_wait3A_419 = arith.constant 0 : i32
    %dma_wait3A_420 = arith.constant 0 : i32
    %dma_wait3A_421 = tpu.memref_slice %arg6[%dma_wait3A_416, %dma_wait3A_419, %dma_wait3A_420] : memref<8x128x64xf32, #tpu.memory_space<vmem>> -> memref<1x128x64xf32, #tpu.memory_space<vmem>>
    %dma_wait3A_422 = tpu.memref_squeeze %dma_wait3A_421 : memref<1x128x64xf32, #tpu.memory_space<vmem>> -> memref<128x64xf32, #tpu.memory_space<vmem>>
    %dma_wait3A_423 = arith.constant 0 : i32
    %dma_wait3A_424 = tpu.memref_slice %arg4[%mul3A_2, %dma_wait3A_417, %dma_wait3A_423] : memref<4096x200x64xf32, #tpu.memory_space<hbm>> -> memref<128x1x64xf32, #tpu.memory_space<hbm>>
    %dma_wait3A_425 = tpu.memref_squeeze %dma_wait3A_424 : memref<128x1x64xf32, #tpu.memory_space<hbm>> -> memref<128x64xf32, #tpu.memory_space<hbm>>
    %dma_wait3A_426 = tpu.memref_slice %arg8[%dma_wait3A_418] : memref<8x!tpu.dma_semaphore, #tpu.memory_space<semaphore_mem>> -> memref<1x!tpu.dma_semaphore, #tpu.memory_space<semaphore_mem>>
    %dma_wait3A_427 = tpu.memref_squeeze %dma_wait3A_426 : memref<1x!tpu.dma_semaphore, #tpu.memory_space<semaphore_mem>> -> memref<!tpu.dma_semaphore, #tpu.memory_space<semaphore_mem>>
    %dma_wait3A_428 = arith.constant 0 : i32
    %dma_wait3A_429 = tpu.memref_slice %arg4[%mul3A_2, %dma_wait3A_417, %dma_wait3A_428] : memref<4096x200x64xf32, #tpu.memory_space<hbm>> -> memref<128x1x64xf32, #tpu.memory_space<hbm>>
    %dma_wait3A_430 = tpu.memref_squeeze %dma_wait3A_429 : memref<128x1x64xf32, #tpu.memory_space<hbm>> -> memref<128x64xf32, #tpu.memory_space<hbm>>
    %dma_wait3A_431 = arith.constant 0 : i32
    %dma_wait3A_432 = arith.constant 0 : i32
    %dma_wait3A_433 = tpu.memref_slice %arg6[%dma_wait3A_416, %dma_wait3A_431, %dma_wait3A_432] : memref<8x128x64xf32, #tpu.memory_space<vmem>> -> memref<1x128x64xf32, #tpu.memory_space<vmem>>
    %dma_wait3A_434 = tpu.memref_squeeze %dma_wait3A_433 : memref<1x128x64xf32, #tpu.memory_space<vmem>> -> memref<128x64xf32, #tpu.memory_space<vmem>>
    tpu.wait_dma2 semaphore(%dma_wait3A_427 : memref<!tpu.dma_semaphore, #tpu.memory_space<semaphore_mem>>) src(%dma_wait3A_434 : memref<128x64xf32, #tpu.memory_space<vmem>>) dst(%dma_wait3A_430 : memref<128x64xf32, #tpu.memory_space<hbm>>)
    %dma_wait3A_435 = arith.constant 2 : i32
    %dma_wait3A_436 = arith.constant 0 : i32
    %dma_wait3A_437 = arith.constant 2 : i32
    %dma_wait3A_438 = arith.constant 0 : i32
    %dma_wait3A_439 = arith.constant 0 : i32
    %dma_wait3A_440 = tpu.memref_slice %arg6[%dma_wait3A_435, %dma_wait3A_438, %dma_wait3A_439] : memref<8x128x64xf32, #tpu.memory_space<vmem>> -> memref<1x128x64xf32, #tpu.memory_space<vmem>>
    %dma_wait3A_441 = tpu.memref_squeeze %dma_wait3A_440 : memref<1x128x64xf32, #tpu.memory_space<vmem>> -> memref<128x64xf32, #tpu.memory_space<vmem>>
    %dma_wait3A_442 = arith.constant 0 : i32
    %dma_wait3A_443 = tpu.memref_slice %arg4[%mul3A_2, %dma_wait3A_436, %dma_wait3A_442] : memref<4096x200x64xf32, #tpu.memory_space<hbm>> -> memref<128x1x64xf32, #tpu.memory_space<hbm>>
    %dma_wait3A_444 = tpu.memref_squeeze %dma_wait3A_443 : memref<128x1x64xf32, #tpu.memory_space<hbm>> -> memref<128x64xf32, #tpu.memory_space<hbm>>
    %dma_wait3A_445 = tpu.memref_slice %arg8[%dma_wait3A_437] : memref<8x!tpu.dma_semaphore, #tpu.memory_space<semaphore_mem>> -> memref<1x!tpu.dma_semaphore, #tpu.memory_space<semaphore_mem>>
    %dma_wait3A_446 = tpu.memref_squeeze %dma_wait3A_445 : memref<1x!tpu.dma_semaphore, #tpu.memory_space<semaphore_mem>> -> memref<!tpu.dma_semaphore, #tpu.memory_space<semaphore_mem>>
    %dma_wait3A_447 = arith.constant 0 : i32
    %dma_wait3A_448 = tpu.memref_slice %arg4[%mul3A_2, %dma_wait3A_436, %dma_wait3A_447] : memref<4096x200x64xf32, #tpu.memory_space<hbm>> -> memref<128x1x64xf32, #tpu.memory_space<hbm>>
    %dma_wait3A_449 = tpu.memref_squeeze %dma_wait3A_448 : memref<128x1x64xf32, #tpu.memory_space<hbm>> -> memref<128x64xf32, #tpu.memory_space<hbm>>
    %dma_wait3A_450 = arith.constant 0 : i32
    %dma_wait3A_451 = arith.constant 0 : i32
    %dma_wait3A_452 = tpu.memref_slice %arg6[%dma_wait3A_435, %dma_wait3A_450, %dma_wait3A_451] : memref<8x128x64xf32, #tpu.memory_space<vmem>> -> memref<1x128x64xf32, #tpu.memory_space<vmem>>
    %dma_wait3A_453 = tpu.memref_squeeze %dma_wait3A_452 : memref<1x128x64xf32, #tpu.memory_space<vmem>> -> memref<128x64xf32, #tpu.memory_space<vmem>>
    tpu.wait_dma2 semaphore(%dma_wait3A_446 : memref<!tpu.dma_semaphore, #tpu.memory_space<semaphore_mem>>) src(%dma_wait3A_453 : memref<128x64xf32, #tpu.memory_space<vmem>>) dst(%dma_wait3A_449 : memref<128x64xf32, #tpu.memory_space<hbm>>)
    %dma_wait3A_454 = arith.constant 3 : i32
    %dma_wait3A_455 = arith.constant 0 : i32
    %dma_wait3A_456 = arith.constant 3 : i32
    %dma_wait3A_457 = arith.constant 0 : i32
    %dma_wait3A_458 = arith.constant 0 : i32
    %dma_wait3A_459 = tpu.memref_slice %arg6[%dma_wait3A_454, %dma_wait3A_457, %dma_wait3A_458] : memref<8x128x64xf32, #tpu.memory_space<vmem>> -> memref<1x128x64xf32, #tpu.memory_space<vmem>>
    %dma_wait3A_460 = tpu.memref_squeeze %dma_wait3A_459 : memref<1x128x64xf32, #tpu.memory_space<vmem>> -> memref<128x64xf32, #tpu.memory_space<vmem>>
    %dma_wait3A_461 = arith.constant 0 : i32
    %dma_wait3A_462 = tpu.memref_slice %arg4[%mul3A_2, %dma_wait3A_455, %dma_wait3A_461] : memref<4096x200x64xf32, #tpu.memory_space<hbm>> -> memref<128x1x64xf32, #tpu.memory_space<hbm>>
    %dma_wait3A_463 = tpu.memref_squeeze %dma_wait3A_462 : memref<128x1x64xf32, #tpu.memory_space<hbm>> -> memref<128x64xf32, #tpu.memory_space<hbm>>
    %dma_wait3A_464 = tpu.memref_slice %arg8[%dma_wait3A_456] : memref<8x!tpu.dma_semaphore, #tpu.memory_space<semaphore_mem>> -> memref<1x!tpu.dma_semaphore, #tpu.memory_space<semaphore_mem>>
    %dma_wait3A_465 = tpu.memref_squeeze %dma_wait3A_464 : memref<1x!tpu.dma_semaphore, #tpu.memory_space<semaphore_mem>> -> memref<!tpu.dma_semaphore, #tpu.memory_space<semaphore_mem>>
    %dma_wait3A_466 = arith.constant 0 : i32
    %dma_wait3A_467 = tpu.memref_slice %arg4[%mul3A_2, %dma_wait3A_455, %dma_wait3A_466] : memref<4096x200x64xf32, #tpu.memory_space<hbm>> -> memref<128x1x64xf32, #tpu.memory_space<hbm>>
    %dma_wait3A_468 = tpu.memref_squeeze %dma_wait3A_467 : memref<128x1x64xf32, #tpu.memory_space<hbm>> -> memref<128x64xf32, #tpu.memory_space<hbm>>
    %dma_wait3A_469 = arith.constant 0 : i32
    %dma_wait3A_470 = arith.constant 0 : i32
    %dma_wait3A_471 = tpu.memref_slice %arg6[%dma_wait3A_454, %dma_wait3A_469, %dma_wait3A_470] : memref<8x128x64xf32, #tpu.memory_space<vmem>> -> memref<1x128x64xf32, #tpu.memory_space<vmem>>
    %dma_wait3A_472 = tpu.memref_squeeze %dma_wait3A_471 : memref<1x128x64xf32, #tpu.memory_space<vmem>> -> memref<128x64xf32, #tpu.memory_space<vmem>>
    tpu.wait_dma2 semaphore(%dma_wait3A_465 : memref<!tpu.dma_semaphore, #tpu.memory_space<semaphore_mem>>) src(%dma_wait3A_472 : memref<128x64xf32, #tpu.memory_space<vmem>>) dst(%dma_wait3A_468 : memref<128x64xf32, #tpu.memory_space<hbm>>)
    %dma_wait3A_473 = arith.constant 4 : i32
    %dma_wait3A_474 = arith.constant 0 : i32
    %dma_wait3A_475 = arith.constant 4 : i32
    %dma_wait3A_476 = arith.constant 0 : i32
    %dma_wait3A_477 = arith.constant 0 : i32
    %dma_wait3A_478 = tpu.memref_slice %arg6[%dma_wait3A_473, %dma_wait3A_476, %dma_wait3A_477] : memref<8x128x64xf32, #tpu.memory_space<vmem>> -> memref<1x128x64xf32, #tpu.memory_space<vmem>>
    %dma_wait3A_479 = tpu.memref_squeeze %dma_wait3A_478 : memref<1x128x64xf32, #tpu.memory_space<vmem>> -> memref<128x64xf32, #tpu.memory_space<vmem>>
    %dma_wait3A_480 = arith.constant 0 : i32
    %dma_wait3A_481 = tpu.memref_slice %arg4[%mul3A_2, %dma_wait3A_474, %dma_wait3A_480] : memref<4096x200x64xf32, #tpu.memory_space<hbm>> -> memref<128x1x64xf32, #tpu.memory_space<hbm>>
    %dma_wait3A_482 = tpu.memref_squeeze %dma_wait3A_481 : memref<128x1x64xf32, #tpu.memory_space<hbm>> -> memref<128x64xf32, #tpu.memory_space<hbm>>
    %dma_wait3A_483 = tpu.memref_slice %arg8[%dma_wait3A_475] : memref<8x!tpu.dma_semaphore, #tpu.memory_space<semaphore_mem>> -> memref<1x!tpu.dma_semaphore, #tpu.memory_space<semaphore_mem>>
    %dma_wait3A_484 = tpu.memref_squeeze %dma_wait3A_483 : memref<1x!tpu.dma_semaphore, #tpu.memory_space<semaphore_mem>> -> memref<!tpu.dma_semaphore, #tpu.memory_space<semaphore_mem>>
    %dma_wait3A_485 = arith.constant 0 : i32
    %dma_wait3A_486 = tpu.memref_slice %arg4[%mul3A_2, %dma_wait3A_474, %dma_wait3A_485] : memref<4096x200x64xf32, #tpu.memory_space<hbm>> -> memref<128x1x64xf32, #tpu.memory_space<hbm>>
    %dma_wait3A_487 = tpu.memref_squeeze %dma_wait3A_486 : memref<128x1x64xf32, #tpu.memory_space<hbm>> -> memref<128x64xf32, #tpu.memory_space<hbm>>
    %dma_wait3A_488 = arith.constant 0 : i32
    %dma_wait3A_489 = arith.constant 0 : i32
    %dma_wait3A_490 = tpu.memref_slice %arg6[%dma_wait3A_473, %dma_wait3A_488, %dma_wait3A_489] : memref<8x128x64xf32, #tpu.memory_space<vmem>> -> memref<1x128x64xf32, #tpu.memory_space<vmem>>
    %dma_wait3A_491 = tpu.memref_squeeze %dma_wait3A_490 : memref<1x128x64xf32, #tpu.memory_space<vmem>> -> memref<128x64xf32, #tpu.memory_space<vmem>>
    tpu.wait_dma2 semaphore(%dma_wait3A_484 : memref<!tpu.dma_semaphore, #tpu.memory_space<semaphore_mem>>) src(%dma_wait3A_491 : memref<128x64xf32, #tpu.memory_space<vmem>>) dst(%dma_wait3A_487 : memref<128x64xf32, #tpu.memory_space<hbm>>)
    %dma_wait3A_492 = arith.constant 5 : i32
    %dma_wait3A_493 = arith.constant 0 : i32
    %dma_wait3A_494 = arith.constant 5 : i32
    %dma_wait3A_495 = arith.constant 0 : i32
    %dma_wait3A_496 = arith.constant 0 : i32
    %dma_wait3A_497 = tpu.memref_slice %arg6[%dma_wait3A_492, %dma_wait3A_495, %dma_wait3A_496] : memref<8x128x64xf32, #tpu.memory_space<vmem>> -> memref<1x128x64xf32, #tpu.memory_space<vmem>>
    %dma_wait3A_498 = tpu.memref_squeeze %dma_wait3A_497 : memref<1x128x64xf32, #tpu.memory_space<vmem>> -> memref<128x64xf32, #tpu.memory_space<vmem>>
    %dma_wait3A_499 = arith.constant 0 : i32
    %dma_wait3A_500 = tpu.memref_slice %arg4[%mul3A_2, %dma_wait3A_493, %dma_wait3A_499] : memref<4096x200x64xf32, #tpu.memory_space<hbm>> -> memref<128x1x64xf32, #tpu.memory_space<hbm>>
    %dma_wait3A_501 = tpu.memref_squeeze %dma_wait3A_500 : memref<128x1x64xf32, #tpu.memory_space<hbm>> -> memref<128x64xf32, #tpu.memory_space<hbm>>
    %dma_wait3A_502 = tpu.memref_slice %arg8[%dma_wait3A_494] : memref<8x!tpu.dma_semaphore, #tpu.memory_space<semaphore_mem>> -> memref<1x!tpu.dma_semaphore, #tpu.memory_space<semaphore_mem>>
    %dma_wait3A_503 = tpu.memref_squeeze %dma_wait3A_502 : memref<1x!tpu.dma_semaphore, #tpu.memory_space<semaphore_mem>> -> memref<!tpu.dma_semaphore, #tpu.memory_space<semaphore_mem>>
    %dma_wait3A_504 = arith.constant 0 : i32
    %dma_wait3A_505 = tpu.memref_slice %arg4[%mul3A_2, %dma_wait3A_493, %dma_wait3A_504] : memref<4096x200x64xf32, #tpu.memory_space<hbm>> -> memref<128x1x64xf32, #tpu.memory_space<hbm>>
    %dma_wait3A_506 = tpu.memref_squeeze %dma_wait3A_505 : memref<128x1x64xf32, #tpu.memory_space<hbm>> -> memref<128x64xf32, #tpu.memory_space<hbm>>
    %dma_wait3A_507 = arith.constant 0 : i32
    %dma_wait3A_508 = arith.constant 0 : i32
    %dma_wait3A_509 = tpu.memref_slice %arg6[%dma_wait3A_492, %dma_wait3A_507, %dma_wait3A_508] : memref<8x128x64xf32, #tpu.memory_space<vmem>> -> memref<1x128x64xf32, #tpu.memory_space<vmem>>
    %dma_wait3A_510 = tpu.memref_squeeze %dma_wait3A_509 : memref<1x128x64xf32, #tpu.memory_space<vmem>> -> memref<128x64xf32, #tpu.memory_space<vmem>>
    tpu.wait_dma2 semaphore(%dma_wait3A_503 : memref<!tpu.dma_semaphore, #tpu.memory_space<semaphore_mem>>) src(%dma_wait3A_510 : memref<128x64xf32, #tpu.memory_space<vmem>>) dst(%dma_wait3A_506 : memref<128x64xf32, #tpu.memory_space<hbm>>)
    %dma_wait3A_511 = arith.constant 6 : i32
    %dma_wait3A_512 = arith.constant 0 : i32
    %dma_wait3A_513 = arith.constant 6 : i32
    %dma_wait3A_514 = arith.constant 0 : i32
    %dma_wait3A_515 = arith.constant 0 : i32
    %dma_wait3A_516 = tpu.memref_slice %arg6[%dma_wait3A_511, %dma_wait3A_514, %dma_wait3A_515] : memref<8x128x64xf32, #tpu.memory_space<vmem>> -> memref<1x128x64xf32, #tpu.memory_space<vmem>>
    %dma_wait3A_517 = tpu.memref_squeeze %dma_wait3A_516 : memref<1x128x64xf32, #tpu.memory_space<vmem>> -> memref<128x64xf32, #tpu.memory_space<vmem>>
    %dma_wait3A_518 = arith.constant 0 : i32
    %dma_wait3A_519 = tpu.memref_slice %arg4[%mul3A_2, %dma_wait3A_512, %dma_wait3A_518] : memref<4096x200x64xf32, #tpu.memory_space<hbm>> -> memref<128x1x64xf32, #tpu.memory_space<hbm>>
    %dma_wait3A_520 = tpu.memref_squeeze %dma_wait3A_519 : memref<128x1x64xf32, #tpu.memory_space<hbm>> -> memref<128x64xf32, #tpu.memory_space<hbm>>
    %dma_wait3A_521 = tpu.memref_slice %arg8[%dma_wait3A_513] : memref<8x!tpu.dma_semaphore, #tpu.memory_space<semaphore_mem>> -> memref<1x!tpu.dma_semaphore, #tpu.memory_space<semaphore_mem>>
    %dma_wait3A_522 = tpu.memref_squeeze %dma_wait3A_521 : memref<1x!tpu.dma_semaphore, #tpu.memory_space<semaphore_mem>> -> memref<!tpu.dma_semaphore, #tpu.memory_space<semaphore_mem>>
    %dma_wait3A_523 = arith.constant 0 : i32
    %dma_wait3A_524 = tpu.memref_slice %arg4[%mul3A_2, %dma_wait3A_512, %dma_wait3A_523] : memref<4096x200x64xf32, #tpu.memory_space<hbm>> -> memref<128x1x64xf32, #tpu.memory_space<hbm>>
    %dma_wait3A_525 = tpu.memref_squeeze %dma_wait3A_524 : memref<128x1x64xf32, #tpu.memory_space<hbm>> -> memref<128x64xf32, #tpu.memory_space<hbm>>
    %dma_wait3A_526 = arith.constant 0 : i32
    %dma_wait3A_527 = arith.constant 0 : i32
    %dma_wait3A_528 = tpu.memref_slice %arg6[%dma_wait3A_511, %dma_wait3A_526, %dma_wait3A_527] : memref<8x128x64xf32, #tpu.memory_space<vmem>> -> memref<1x128x64xf32, #tpu.memory_space<vmem>>
    %dma_wait3A_529 = tpu.memref_squeeze %dma_wait3A_528 : memref<1x128x64xf32, #tpu.memory_space<vmem>> -> memref<128x64xf32, #tpu.memory_space<vmem>>
    tpu.wait_dma2 semaphore(%dma_wait3A_522 : memref<!tpu.dma_semaphore, #tpu.memory_space<semaphore_mem>>) src(%dma_wait3A_529 : memref<128x64xf32, #tpu.memory_space<vmem>>) dst(%dma_wait3A_525 : memref<128x64xf32, #tpu.memory_space<hbm>>)
    %dma_wait3A_530 = arith.constant 7 : i32
    %dma_wait3A_531 = arith.constant 0 : i32
    %dma_wait3A_532 = arith.constant 7 : i32
    %dma_wait3A_533 = arith.constant 0 : i32
    %dma_wait3A_534 = arith.constant 0 : i32
    %dma_wait3A_535 = tpu.memref_slice %arg6[%dma_wait3A_530, %dma_wait3A_533, %dma_wait3A_534] : memref<8x128x64xf32, #tpu.memory_space<vmem>> -> memref<1x128x64xf32, #tpu.memory_space<vmem>>
    %dma_wait3A_536 = tpu.memref_squeeze %dma_wait3A_535 : memref<1x128x64xf32, #tpu.memory_space<vmem>> -> memref<128x64xf32, #tpu.memory_space<vmem>>
    %dma_wait3A_537 = arith.constant 0 : i32
    %dma_wait3A_538 = tpu.memref_slice %arg4[%mul3A_2, %dma_wait3A_531, %dma_wait3A_537] : memref<4096x200x64xf32, #tpu.memory_space<hbm>> -> memref<128x1x64xf32, #tpu.memory_space<hbm>>
    %dma_wait3A_539 = tpu.memref_squeeze %dma_wait3A_538 : memref<128x1x64xf32, #tpu.memory_space<hbm>> -> memref<128x64xf32, #tpu.memory_space<hbm>>
    %dma_wait3A_540 = tpu.memref_slice %arg8[%dma_wait3A_532] : memref<8x!tpu.dma_semaphore, #tpu.memory_space<semaphore_mem>> -> memref<1x!tpu.dma_semaphore, #tpu.memory_space<semaphore_mem>>
    %dma_wait3A_541 = tpu.memref_squeeze %dma_wait3A_540 : memref<1x!tpu.dma_semaphore, #tpu.memory_space<semaphore_mem>> -> memref<!tpu.dma_semaphore, #tpu.memory_space<semaphore_mem>>
    %dma_wait3A_542 = arith.constant 0 : i32
    %dma_wait3A_543 = tpu.memref_slice %arg4[%mul3A_2, %dma_wait3A_531, %dma_wait3A_542] : memref<4096x200x64xf32, #tpu.memory_space<hbm>> -> memref<128x1x64xf32, #tpu.memory_space<hbm>>
    %dma_wait3A_544 = tpu.memref_squeeze %dma_wait3A_543 : memref<128x1x64xf32, #tpu.memory_space<hbm>> -> memref<128x64xf32, #tpu.memory_space<hbm>>
    %dma_wait3A_545 = arith.constant 0 : i32
    %dma_wait3A_546 = arith.constant 0 : i32
    %dma_wait3A_547 = tpu.memref_slice %arg6[%dma_wait3A_530, %dma_wait3A_545, %dma_wait3A_546] : memref<8x128x64xf32, #tpu.memory_space<vmem>> -> memref<1x128x64xf32, #tpu.memory_space<vmem>>
    %dma_wait3A_548 = tpu.memref_squeeze %dma_wait3A_547 : memref<1x128x64xf32, #tpu.memory_space<vmem>> -> memref<128x64xf32, #tpu.memory_space<vmem>>
    tpu.wait_dma2 semaphore(%dma_wait3A_541 : memref<!tpu.dma_semaphore, #tpu.memory_space<semaphore_mem>>) src(%dma_wait3A_548 : memref<128x64xf32, #tpu.memory_space<vmem>>) dst(%dma_wait3A_544 : memref<128x64xf32, #tpu.memory_space<hbm>>)
    return
  }
}

</mosaic_0001>

<sc_bundles>
// kernel: kernel.3.cloned.1.call-start
scs
__scs_entry_jumppad:
0x0: {  	(pc) =	sbr.rel $0x88, $3  }
0x1: {  	(tag) =	ssettag $0x0;
	lr =	simm.s32 $0x1  }
0x2: {  	[smem:$0x3F9F] =	sst lr;
	_ =	strace $0xD0000000  }
0x3: {  	_ = 	snop  }
0x4: {  	_ = 	snop  }
0x5: {  	_ = 	snop  }
0x6: {  	_ = 	snop  }
0x7: {  	_ = 	snop  }
__scs_overlays_trampoline_lowered:
0x8: {  	[smem:$0x3FAE] =	sst s0  }
0x9: {  	[smem:$0x3FAF] =	sst s1  }
0xa: {  	[smem:$0x3FB0] =	sst s2  }
0xb: {  	[smem:$0x3FB1] =	sst s3  }
0xc: {  	[smem:$0x3FB2] =	sst s4  }
0xd: {  	[smem:$0x3FB3] =	sst s5  }
0xe: {  	[smem:$0x3FB4] =	sst s6  }
0xf: {  	[smem:$0x3FB5] =	sst s7  }
0x10: {  	[smem:$0x3FB6] =	sst s8  }
0x11: {  	[smem:$0x3FB7] =	sst s9;
	s0 =	simm.s32 @!p0 $0x0  }
0x12: {  	s1 =	sld [smem:$0x3F9D];
	s0 =	simm.s32 @p0 $0x1  }
0x13: {  	[smem:$0x3FB8] =	sst s0;
	s0 =	simm.s32 @!p1 $0x0  }
0x14: {  	s2 =	sld [smem:$0x3F9C];
	s0 =	simm.s32 @p1 $0x1  }
0x15: {  	[smem:$0x3FB9] =	sst s0;
	s0 =	simm.s32 @!p2 $0x0  }
0x16: {  	s3 =	sld [smem:$0x3FDB];
	s0 =	simm.s32 @p2 $0x1  }
0x17: {  	s4 =	simm.s32 $0x1BF5;
	[smem:$0x3FBB] =	sst s0  }
0x18: {  	s0 =	sld [smem:$0x3F9E];
	_ =	swait.ge [sflag:s4], $0x0  }
0x19: {  	s7 =	sld [smem:$0x3F9F]  }
0x1a: {  	s8 =	sadd.s32 $0xFFFFE003, lr  }
0x1b: {  	s9 =	sadd.s32 $0xFFFFFEF7, lr;
	s5 =	simm.s32 $0xFFFFFFFF;
	p2 =	slt.u32 s8, $0xFFFFF086  }
0x1c: {  	p1 =	slt.u32 s9, $0xF7A;
	s5 =	simm.s32 @!p2 $0x0  }
0x1d: {  	s5 =	simm.s32 @p1 $0x1;
	p0 =	seq.s32 s7, s2  }
0x1e: {  	s7 =	smul.u32 @!p0 $0xF7A, s2;
	p2 =	seq.s32 @!p0 s5, $0x0  }
0x1f: {  	s9 =	smul.u32 $0xF7A, s1;
	s8 =	simm.s32 @!p0 $0x1BF5;
	p2 =	por !p2, p0  }
0x20: {  	[sflag:s8] =	ssyncset.s32 @!p0 $0xFFFFF086;
	s6 =	sadd.s32 @!p0 s3, s7;
	s7 =	simm.s32 @!p0 $0x108  }
0x21: {  	s3 =	sadd.s32 s3, s9;
	s6 =	sadd.s32 @!p0 $0x88, s6;
	s7 =	simm.s32 @p2 $0x1082  }
0x22: {  	[simem:s7], [sflag:s8] =	dma.local @!p0 [hbm:s6], $0xF7A  }
0x23: {  	s9 =	sor.u32 $0xD0000000, s2;
	s6 =	simm.s32 $0x108;
	_ =	swait.ge @!p0 [sflag:s8], $0x0  }
0x24: {  	s3 =	sadd.s32 $0x88, s3;
	s6 =	simm.s32 @!p1 $0x1082;
	[sflag:s4] =	ssyncset.s32 $0xFFFFF086  }
0x25: {  	[simem:s6], [sflag:s4] =	dma.local [hbm:s3], $0xF7A  }
0x26: {  	[smem:$0x3F9F] =	sst s1;
	(tag) =	ssettag s2;
	_ =	strace s9  }
0x27: {  	s1 =	sld [smem:$0x3FAF]  }
0x28: {  	s2 =	sld [smem:$0x3FB0]  }
0x29: {  	s4 =	sld [smem:$0x3FB2]  }
0x2a: {  	p0 =	seq.s32 s5, $0x0;
	s5 =	sld [smem:$0x3FB3]  }
0x2b: {  	s6 =	sld [smem:$0x3FB4]  }
0x2c: {  	s7 =	sld [smem:$0x3FB5]  }
0x2d: {  	s3 =	simm.s32 $0x108;
	s8 =	sld [smem:$0x3FB6]  }
0x2e: {  	s3 =	simm.s32 @!p0 $0x1082;
	s9 =	sld [smem:$0x3FB7]  }
0x2f: {  	lr =	sadd.s32 s0, s3;
	s0 =	sld [smem:$0x3FAE]  }
0x30: {  	s3 =	sld [smem:$0x3FB1]  }
0x31: {  	[smem:$0x3FBA] =	sst s10  }
0x32: {  	s10 =	sld [smem:$0x3FB8];
	_ =	sdelay $0x3  }
0x33: {  	p0 =	seq.s32 s10, $0x1;
	s10 =	sld [smem:$0x3FBA];
	_ =	sdelay $0x3  }
0x34: {  	[smem:$0x3FBA] =	sst s10  }
0x35: {  	s10 =	sld [smem:$0x3FB9];
	_ =	sdelay $0x3  }
0x36: {  	p1 =	seq.s32 s10, $0x1;
	s10 =	sld [smem:$0x3FBA];
	_ =	sdelay $0x3  }
0x37: {  	[smem:$0x3FBA] =	sst s10  }
0x38: {  	s10 =	sld [smem:$0x3FBB]  }
0x39: {  	_ = 	snop;
	(pc) =	sbr.ind lr, $3  }
0x3a: {  	_ = 	snop  }
0x3b: {  	_ = 	snop  }
0x3c: {  	p2 =	seq.s32 s10, $0x1;
	s10 =	sld [smem:$0x3FBA]  }
0x3d: {  	_ =	shalt  }
0x3e: {  	_ =	shalt  }
0x3f: {  	_ =	shalt  }
0x40: {  	_ =	shalt  }
0x41: {  	_ =	shalt  }
0x42: {  	_ =	shalt  }
0x43: {  	_ =	shalt  }
0x44: {  	_ =	shalt  }
0x45: {  	_ =	shalt  }
0x46: {  	_ =	shalt  }
0x47: {  	_ =	shalt  }
0x48: {  	_ =	shalt  }
0x49: {  	_ =	shalt  }
0x4a: {  	_ =	shalt  }
0x4b: {  	_ =	shalt  }
0x4c: {  	_ =	shalt  }
0x4d: {  	_ =	shalt  }
0x4e: {  	_ =	shalt  }
0x4f: {  	_ =	shalt  }
0x50: {  	_ =	shalt  }
0x51: {  	_ =	shalt  }
0x52: {  	_ =	shalt  }
0x53: {  	_ =	shalt  }
0x54: {  	_ =	shalt  }
0x55: {  	_ =	shalt  }
0x56: {  	_ =	shalt  }
0x57: {  	_ =	shalt  }
0x58: {  	_ =	shalt  }
0x59: {  	_ =	shalt  }
0x5a: {  	_ =	shalt  }
0x5b: {  	_ =	shalt  }
0x5c: {  	_ =	shalt  }
0x5d: {  	_ =	shalt  }
0x5e: {  	_ =	shalt  }
0x5f: {  	_ =	shalt  }
0x60: {  	_ =	shalt  }
0x61: {  	_ =	shalt  }
0x62: {  	_ =	shalt  }
0x63: {  	_ =	shalt  }
0x64: {  	_ =	shalt  }
0x65: {  	_ =	shalt  }
0x66: {  	_ =	shalt  }
0x67: {  	_ =	shalt  }
0x68: {  	_ =	shalt  }
0x69: {  	_ =	shalt  }
0x6a: {  	_ =	shalt  }
0x6b: {  	_ =	shalt  }
0x6c: {  	_ =	shalt  }
0x6d: {  	_ =	shalt  }
0x6e: {  	_ =	shalt  }
0x6f: {  	_ =	shalt  }
0x70: {  	_ =	shalt  }
0x71: {  	_ =	shalt  }
0x72: {  	_ =	shalt  }
0x73: {  	_ =	shalt  }
0x74: {  	_ =	shalt  }
0x75: {  	_ =	shalt  }
0x76: {  	_ =	shalt  }
0x77: {  	_ =	shalt  }
0x78: {  	_ =	shalt  }
0x79: {  	_ =	shalt  }
0x7a: {  	_ =	shalt  }
0x7b: {  	_ =	shalt  }
0x7c: {  	_ =	shalt  }
0x7d: {  	_ =	shalt  }
0x7e: {  	_ =	shalt  }
0x7f: {  	_ =	shalt  }
0x80: {  	_ =	shalt  }
0x81: {  	_ =	shalt  }
0x82: {  	_ =	shalt  }
0x83: {  	_ =	shalt  }
0x84: {  	_ =	shalt  }
0x85: {  	_ =	shalt  }
0x86: {  	_ =	shalt  }
0x87: {  	_ =	shalt  }
.Lfunc_end0:
.L_simem_size_0:
called_computation.1_lowered:
.L_overlay_start_0:
0x88: {  	s2 =	sld [smem:$0x3FD9]  }
0x89: {  	s3 =	sld [smem:$0x3FFE];
	_ =	sdelay $0x1  }
0x8a: {  	s1 =	srdreg.scid  }
0x8b: {  	s0 =	sand.u32 $0x1, s1  }
0x8c: {  	s17 =	sshll.u32 s0, $0xA;
	s2 =	sadd.s32 s3, s2  }
0x8d: {  	s2 =	sadd.s32 s2, s17  }
0x8e: {  	[smem:$0x3FC6] =	sst s2  }
0x8f: {  	_ = 	snop  }
0x90: {  	s2 =	sld [smem:$0x3FD0];
	(tm) =	ssettm $0x1  }
0x91: {  	s18 =	sld [smem:$0x3FFB];
	_ =	sdelay $0x3  }
0x92: {  	_ =	strace s18  }
0x93: {  	s3 =	sld [smem:$0x3FFC];
	_ =	sdelay $0x3  }
0x94: {  	_ =	strace s3  }
0x95: {  	s3 =	sld [smem:$0x3FFD];
	_ =	sdelay $0x3  }
0x96: {  	_ =	strace s3  }
0x97: {  	_ =	strace $0x8FFFFFFF  }
0x98: {  	s19 =	sld [smem:$0x3FDB];
	_ =	sdelay $0x1  }
0x99: {  	s4 =	simm.s32 $_scs_section_size  }
0x9a: {  	s5 =	simm.s32 $_size__tile_overlayer_lowered;
	s6 =	simm.s32 $_tile_overlayer_lowered  }
0x9b: {  	s22 =	simm.s32 $0x1BFF;
	s21 =	sshll.u32 s6, $0x1;
	s3 =	sadd.s32 s4, s19  }
0x9c: {  	s7 =	simm.s32 $0x0;
	s20 =	sshll.u32 s5, $0x1;
	s5 =	sadd.s32 s21, s3  }
0x9d: {  	[timem:s7], [sflag:s22] =	dma.local [hbm:s5], s20  }
0x9e: {  	_ =	swait.ge [sflag:s22], s20  }
0x9f: {  	s4 =	ssub.s32 $0x0, s20;
	[sflag:s22] =	ssyncset.done $0x0  }
0xa0: {  	[sflag:s22] =	ssyncadd.s32 s4;
	_ =	sdelay $0x1  }
0xa1: {  	s23 =	simm.s32 $0x1B8B  }
0xa2: {  	_ =	swait.ge [sflag:s23], $0x1  }
0xa3: {  	[sflag:s23] =	ssyncset.done $0x0  }
0xa4: {  	s25 =	simm.s32 $0x1B8E;
	s24 =	sld [smem:$0x3FFE];
	[sflag:s23] =	ssyncadd.s32 $0xFFFFFFFF  }
0xa5: {  	s26 =	simm.s32 $execute0_lowered;
	[smem:$0x3FD2] =	sst s25  }
0xa6: {  	s5 =	sshll.u32 s26, $0x1;
	_ =	strace $0x80000046;
	[dreg:$0x1] =	wrdreg $0xFFFFFFFF  }
0xa7: {  	s28 =	simm.s32 $_size_execute0_lowered;
	s3 =	sadd.s32 s3, s5;
	[dreg:$0x0] =	wrdreg $0x0  }
0xa8: {  	s5 =	sshll.u32 s28, $0x1;
	[dreg:$0x2] =	wrdreg s3  }
0xa9: {  	[dreg:$0x3] =	wrdreg s5  }
0xaa: {  	[dreg:$0x4] =	wrdreg $0xC0  }
0xab: {  	_ =	task [dreg:s7], $0x5FFFF  }
0xac: {  	[dreg:$0x1] =	wrdreg $0xFFFFFFFF  }
0xad: {  	[dreg:$0x0] =	wrdreg $0x60  }
0xae: {  	[dreg:$0x2] =	wrdreg s24  }
0xaf: {  	[dreg:$0x3] =	wrdreg s2  }
0xb0: {  	[dreg:$0x4] =	wrdreg $0x9  }
0xb1: {  	_ =	task.clear_ibuf [dreg:s7], $0x5FFFF;
	_ =	strace $0x90000046  }
0xb2: {  	s29 =	simm.s32 $0x9;
	_ =	strace $0x80000048  }
0xb3: {  	_ =	swait.ge [sflag:s29], $0x1  }
0xb4: {  	[sflag:s29] =	ssyncadd.s32 $0xFFFFFFFF  }
0xb5: {  	_ =	strace $0x90000048  }
0xb6: {  	_ =	sfence  }
0xb7: {  	s30 =	sld [smem:$0x0];
	_ =	sdelay $0x2  }
0xb8: {  	s31 =	sshll.u32 s1, $0xD;
	s1 =	sshrl.u32 s1, $0x2  }
0xb9: {  	s3 =	sand.u32 $0x4000, s31;
	s1 =	sadd.s32 s1, s30  }
0xba: {  	s0 =	sor.u32 s3, s0;
	s1 =	sshll.u32 s1, $0x11  }
0xbb: {  	s0 =	sor.u32 s1, s0  }
0xbc: {  	s0 =	sadd.s32 $0x8F2B, s0  }
0xbd: {  	[sflag:s0] =	ssyncadd.remote.s32 $0x1  }
0xbe: {  	_ =	sfence.sel $0xFFFF  }
0xbf: {  	[dreg:$0x0] =	wrdreg $0xFFFFFFFF;
	(pc) =	sbr.abs _section_cstart, $3  }
0xc0: {  	[dreg:$0x1] =	wrdreg $0xFFFFFFFF  }
0xc1: {  	_ =	task.clear_ibuf [dreg:s7], $0x2FFFF;
	_ =	strace $0x9FFFFFFF  }
0xc2: {  	(tm) =	ssettm $0x7FFFFFFF  }
0xc3: {  	_ =	shalt  }
tec
execute0_lowered:
.L_overlay_start_1:
0x0: {  	(tag) =	ssettag $0x1  }
0x1: {  	s0 =	rddreg [dreg:$0x0]  }
0x2: {  	s7 =	rddreg [dreg:$0x1];
	s1 =	srdreg.scid  }
0x3: {  	s6 =	stileid.u32;
	s4 =	simm.s32 $0x0;
	s28 =	simm.s32 $0x40  }
0x4: {  	s29 =	simm.s32 $0x3200;
	s8 =	simm.s32 $0x7;
	s9 =	simm.s32 $0xC  }
0x5: {  	s10 =	simm.s32 $0x8;
	s30 =	simm.s32 $0x3;
	s1 =	sand.u32 $0x1, s1  }
0x6: {  	s2 =	sshll.u32 s6, $0x8;
	[smem:$0x7FF] =	sst s4;
	s4 =	sadd.s32 $0xF42E00, s0  }
0x7: {  	s6 =	smul.u32 $0x320000, s6;
	s3 =	sshll.u32 s1, $0x7;
	_ =	strace $0x80000047  }
0x8: {  	s11 =	ssub.s32 $0x2, s1;
	s1 =	smul.u32 $0x190000, s1;
	s2 =	sor.u32 s3, s2  }
0x9: {  	s5 =	sshrl.u32 s11, $0x1;
	s3 =	sshrl.u32 s2, $0x3;
	s2 =	smul.u32 $0x3200, s2  }
0xa: {  	s1 =	sadd.s32 s1, s6;
	s6 =	simm.s32 $0x6;
	s3 =	sadd.s32 s3, s0  }
0xb: {  	s0 =	ssub.s32 s11, s5;
	s19 =	sshrl.u32 s1, $0x3;
	s20 =	sor.u32 $0x200, s1  }
0xc: {  	s22 =	sor.u32 $0x240, s1;
	s13 =	sadd.s32 $0xA00, s3;
	[dreg:$0x3] =	wrdreg s19  }
0xd: {  	s24 =	sor.u32 $0x280, s1;
	s21 =	sshrl.u32 s20, $0x3;
	[dreg:$0x9] =	wrdreg s13  }
0xe: {  	s1 =	sor.u32 $0x2C0, s1;
	s23 =	sshrl.u32 s22, $0x3;
	[dreg:$0x4] =	wrdreg s21  }
0xf: {  	s11 =	simm.s32 $0xD;
	s25 =	sshrl.u32 s24, $0x3;
	[dreg:$0x5] =	wrdreg s23  }
0x10: {  	s5 =	simm.s32 $0x0;
	s0 =	smax.u32 s0, $0x1;
	[dreg:$0x6] =	wrdreg s25  }
0x11: {  	s2 =	sshrl.u32 s2, $0x3;
	s1 =	sshrl.u32 s1, $0x3;
	[dreg:$0x11] =	wrdreg s0  }
0x12: {  	s19 =	simm.s32 $0x6400;
	s12 =	sadd.s32 s7, s2;
	[dreg:$0x7] =	wrdreg s1  }
0x13: {  	s20 =	simm.s32 $0x2;
	s14 =	sadd.s32 $0x8, s12;
	[dreg:$0x8] =	wrdreg s12  }
0x14: {  	s3 =	simm.s32 $0xA;
	s15 =	sadd.s32 $0x10, s12;
	[dreg:$0xa] =	wrdreg s14  }
0x15: {  	s21 =	simm.s32 $0xA400;
	s16 =	sadd.s32 $0x18, s12;
	[dreg:$0xb] =	wrdreg s15  }
0x16: {  	s0 =	simm.s32 $0x1;
	s17 =	sadd.s32 $0x620, s12;
	[dreg:$0xc] =	wrdreg s16  }
0x17: {  	s1 =	simm.s32 $0x4;
	s18 =	sadd.s32 $0x628, s12;
	[dreg:$0xd] =	wrdreg s17  }
0x18: {  	s7 =	simm.s32 $0xB;
	s26 =	sadd.s32 $0x630, s12;
	[dreg:$0xe] =	wrdreg s18  }
0x19: {  	s13 =	simm.s32 $0xF;
	s31 =	sadd.s32 $0x638, s12;
	[dreg:$0xf] =	wrdreg s26  }
0x1a: {  	s12 =	simm.s32 $0xE;
	[dreg:$0x10] =	wrdreg s31;
	s15 =	simm.s32 $0x80  }
0x1b: {  	s18 =	simm.s32 $0x8400;
	s26 =	simm.s32 $0x3;
	s14 =	simm.s32 $0x10  }
.LBB2_1:
0x1c: {  	s2 =	simm.s32 $0x0;
	s16 =	rddreg [dreg:$0x9];
	s17 =	simm.s32 $0x1000  }
0x1d: {  	[tilespmem:s2], [sflag:$0x11] =	stream.strided.gather [hbm4b:s16+s15], $0x6400, s17, s15, $0x38;
	[tilespmem:$0x16400] =	vst v63  }
0x1e: {  	[dreg:$0x12] =	wrdreg s5;
	s17 =	simm.s32 $0x11  }
0x1f: {  	_ =	swait.ge [sflag:s17], $0x6400  }
0x20: {  	[sflag:s17] =	ssyncset.done $0x0  }
0x21: {  	[sflag:s17] =	ssyncadd.s32 $0xFFFF9C00  }
0x22: {  	[tilespmem:s19], [sflag:$0x1] =	stream.indirect.gather [hbm4b:s4+s15], $0x40, s2, s15, $0xb8;
	[tilespmem:$0x16400] =	vst v63  }
0x23: {  	_ = 	snop  }
0x24: {  	[tilespmem:s18], [sflag:$0x2] =	stream.indirect.gather [hbm4b:s4+s15], $0x40, s15, s15, $0xb8;
	[tilespmem:$0x16400] =	vst v63  }
0x25: {  	s22 =	simm.s32 $0x100  }
0x26: {  	[tilespmem:s21], [sflag:$0x3] =	stream.indirect.gather [hbm4b:s4+s15], $0x40, s22, s15, $0xb8;
	[tilespmem:$0x16400] =	vst v63  }
0x27: {  	s23 =	simm.s32 $0x180;
	s17 =	simm.s32 $0xC400  }
0x28: {  	[tilespmem:s17], [sflag:$0x4] =	stream.indirect.gather [hbm4b:s4+s15], $0x40, s23, s15, $0xb8;
	[tilespmem:$0x16400] =	vst v63  }
0x29: {  	s24 =	simm.s32 $0x200;
	s25 =	simm.s32 $0xE400  }
0x2a: {  	[tilespmem:s25], [sflag:$0x5] =	stream.indirect.gather [hbm4b:s4+s15], $0x40, s24, s15, $0xb8;
	[tilespmem:$0x16400] =	vst v63  }
0x2b: {  	_ =	swait.ge [sflag:s0], $0x2000  }
0x2c: {  	[sflag:s0] =	ssyncset.done $0x0  }
0x2d: {  	s31 =	rddreg [dreg:$0x8];
	[sflag:s0] =	ssyncadd.s32 $0xFFFFE000  }
0x2e: {  	[hbm4b:s31+s28] =	stream.strided.scatter [tilespmem:s19], [sflag:$0x9], $0x2000, s29, s28, $0x38;
	[tilespmem:$0x16400] =	vst v63  }
0x2f: {  	s5 =	simm.s32 $0x280;
	s16 =	simm.s32 $0x10400  }
0x30: {  	[tilespmem:s16], [sflag:$0x6] =	stream.indirect.gather [hbm4b:s4+s15], $0x40, s5, s15, $0xb8;
	[tilespmem:$0x16400] =	vst v63  }
0x31: {  	_ =	swait.ge [sflag:s20], $0x2000  }
0x32: {  	[sflag:s20] =	ssyncset.done $0x0  }
0x33: {  	s22 =	rddreg [dreg:$0xa];
	[sflag:s20] =	ssyncadd.s32 $0xFFFFE000  }
0x34: {  	[hbm4b:s22+s28] =	stream.strided.scatter [tilespmem:s18], [sflag:$0xA], $0x2000, s29, s28, $0x38;
	[tilespmem:$0x16400] =	vst v63  }
0x35: {  	s23 =	simm.s32 $0x300;
	s24 =	simm.s32 $0x12400  }
0x36: {  	[tilespmem:s24], [sflag:$0x7] =	stream.indirect.gather [hbm4b:s4+s15], $0x40, s23, s15, $0xb8;
	[tilespmem:$0x16400] =	vst v63  }
0x37: {  	_ =	swait.ge [sflag:s26], $0x2000  }
0x38: {  	[sflag:s26] =	ssyncset.done $0x0  }
0x39: {  	s31 =	rddreg [dreg:$0xb];
	[sflag:s26] =	ssyncadd.s32 $0xFFFFE000  }
0x3a: {  	[hbm4b:s31+s28] =	stream.strided.scatter [tilespmem:s21], [sflag:$0xB], $0x2000, s29, s28, $0x38;
	[tilespmem:$0x16400] =	vst v63  }
0x3b: {  	s5 =	simm.s32 $0x380;
	s23 =	simm.s32 $0x14400  }
0x3c: {  	[tilespmem:s23], [sflag:$0x8] =	stream.indirect.gather [hbm4b:s4+s15], $0x40, s5, s15, $0xb8;
	[tilespmem:$0x16400] =	vst v63  }
0x3d: {  	_ =	swait.ge [sflag:s1], $0x2000  }
0x3e: {  	[sflag:s1] =	ssyncset.done $0x0  }
0x3f: {  	s21 =	simm.s32 $0x9;
	s18 =	rddreg [dreg:$0xc];
	[sflag:s1] =	ssyncadd.s32 $0xFFFFE000  }
0x40: {  	[hbm4b:s18+s28] =	stream.strided.scatter [tilespmem:s17], [sflag:$0xC], $0x2000, s29, s28, $0x38;
	[tilespmem:$0x16400] =	vst v63  }
0x41: {  	_ =	swait.ge [sflag:s21], $0x2000  }
0x42: {  	[sflag:s21] =	ssyncset.done $0x0  }
0x43: {  	s22 =	simm.s32 $0x400;
	s5 =	simm.s32 $0x5;
	[sflag:s21] =	ssyncadd.s32 $0xFFFFE000  }
0x44: {  	[tilespmem:s19], [sflag:$0x1] =	stream.indirect.gather [hbm4b:s4+s15], $0x40, s22, s15, $0xb8;
	[tilespmem:$0x16400] =	vst v63  }
0x45: {  	_ =	swait.ge [sflag:s5], $0x2000  }
0x46: {  	s31 =	rddreg [dreg:$0x3];
	[sflag:s5] =	ssyncset.done $0x0  }
0x47: {  	s18 =	rddreg [dreg:$0x1]  }
0x48: {  	s2 =	sadd.s32 s18, s31  }
0x49: {  	[sflag:s5] =	ssyncadd.s32 $0xFFFFE000;
	s31 =	sadd.s32 $0x20, s2  }
0x4a: {  	[hbm4b:s31+s28] =	stream.strided.scatter [tilespmem:s25], [sflag:$0xD], $0x2000, s29, s28, $0x38;
	[tilespmem:$0x16400] =	vst v63  }
0x4b: {  	_ =	swait.ge [sflag:s3], $0x2000  }
0x4c: {  	[sflag:s3] =	ssyncset.done $0x0  }
0x4d: {  	s22 =	simm.s32 $0x8400;
	s31 =	simm.s32 $0x480;
	[sflag:s3] =	ssyncadd.s32 $0xFFFFE000  }
0x4e: {  	[tilespmem:s22], [sflag:$0x2] =	stream.indirect.gather [hbm4b:s4+s15], $0x40, s31, s15, $0xb8;
	[tilespmem:$0x16400] =	vst v63  }
0x4f: {  	_ =	swait.ge [sflag:s6], $0x2000  }
0x50: {  	[sflag:s6] =	ssyncset.done $0x0  }
0x51: {  	s31 =	sadd.s32 $0x28, s2;
	[sflag:s6] =	ssyncadd.s32 $0xFFFFE000  }
0x52: {  	[hbm4b:s31+s28] =	stream.strided.scatter [tilespmem:s16], [sflag:$0xE], $0x2000, s29, s28, $0x38;
	[tilespmem:$0x16400] =	vst v63  }
0x53: {  	_ =	swait.ge [sflag:s7], $0x2000  }
0x54: {  	[sflag:s7] =	ssyncset.done $0x0  }
0x55: {  	s21 =	simm.s32 $0xA400;
	s31 =	simm.s32 $0x500;
	[sflag:s7] =	ssyncadd.s32 $0xFFFFE000  }
0x56: {  	[tilespmem:s21], [sflag:$0x3] =	stream.indirect.gather [hbm4b:s4+s15], $0x40, s31, s15, $0xb8;
	[tilespmem:$0x16400] =	vst v63  }
0x57: {  	_ =	swait.ge [sflag:s8], $0x2000  }
0x58: {  	[sflag:s8] =	ssyncset.done $0x0  }
0x59: {  	s31 =	sadd.s32 $0x30, s2;
	[sflag:s8] =	ssyncadd.s32 $0xFFFFE000  }
0x5a: {  	[hbm4b:s31+s28] =	stream.strided.scatter [tilespmem:s24], [sflag:$0xF], $0x2000, s29, s28, $0x38;
	[tilespmem:$0x16400] =	vst v63  }
0x5b: {  	_ =	swait.ge [sflag:s9], $0x2000  }
0x5c: {  	[sflag:s9] =	ssyncset.done $0x0  }
0x5d: {  	s31 =	simm.s32 $0x580;
	[sflag:s9] =	ssyncadd.s32 $0xFFFFE000  }
0x5e: {  	[tilespmem:s17], [sflag:$0x4] =	stream.indirect.gather [hbm4b:s4+s15], $0x40, s31, s15, $0xb8;
	[tilespmem:$0x16400] =	vst v63  }
0x5f: {  	_ =	swait.ge [sflag:s10], $0x2000  }
0x60: {  	[sflag:s10] =	ssyncset.done $0x0  }
0x61: {  	s2 =	sadd.s32 $0x38, s2;
	[sflag:s10] =	ssyncadd.s32 $0xFFFFE000  }
0x62: {  	[hbm4b:s2+s28] =	stream.strided.scatter [tilespmem:s23], [sflag:$0x10], $0x2000, s29, s28, $0x38;
	[tilespmem:$0x16400] =	vst v63  }
0x63: {  	_ =	swait.ge [sflag:s11], $0x2000  }
0x64: {  	[sflag:s11] =	ssyncset.done $0x0  }
0x65: {  	s17 =	simm.s32 $0x600;
	[sflag:s11] =	ssyncadd.s32 $0xFFFFE000  }
0x66: {  	[tilespmem:s25], [sflag:$0x5] =	stream.indirect.gather [hbm4b:s4+s15], $0x40, s17, s15, $0xb8;
	[tilespmem:$0x16400] =	vst v63  }
0x67: {  	_ =	swait.ge [sflag:s0], $0x2000  }
0x68: {  	s31 =	rddreg [dreg:$0x4];
	[sflag:s0] =	ssyncset.done $0x0  }
0x69: {  	[sflag:s0] =	ssyncadd.s32 $0xFFFFE000;
	s2 =	sadd.s32 s18, s31  }
0x6a: {  	[hbm4b:s2+s28] =	stream.strided.scatter [tilespmem:s19], [sflag:$0x9], $0x2000, s29, s28, $0x38;
	[tilespmem:$0x16400] =	vst v63  }
0x6b: {  	_ =	swait.ge [sflag:s12], $0x2000  }
0x6c: {  	[sflag:s12] =	ssyncset.done $0x0  }
0x6d: {  	s5 =	simm.s32 $0x680;
	[sflag:s12] =	ssyncadd.s32 $0xFFFFE000  }
0x6e: {  	[tilespmem:s16], [sflag:$0x6] =	stream.indirect.gather [hbm4b:s4+s15], $0x40, s5, s15, $0xb8;
	[tilespmem:$0x16400] =	vst v63  }
0x6f: {  	_ =	swait.ge [sflag:s20], $0x2000  }
0x70: {  	s17 =	rddreg [dreg:$0x5];
	[sflag:s20] =	ssyncset.done $0x0  }
0x71: {  	[sflag:s20] =	ssyncadd.s32 $0xFFFFE000;
	s2 =	sadd.s32 s18, s17  }
0x72: {  	[hbm4b:s2+s28] =	stream.strided.scatter [tilespmem:s22], [sflag:$0xA], $0x2000, s29, s28, $0x38;
	[tilespmem:$0x16400] =	vst v63  }
0x73: {  	_ =	swait.ge [sflag:s13], $0x2000  }
0x74: {  	[sflag:s13] =	ssyncset.done $0x0  }
0x75: {  	s22 =	simm.s32 $0x700;
	[sflag:s13] =	ssyncadd.s32 $0xFFFFE000  }
0x76: {  	[tilespmem:s24], [sflag:$0x7] =	stream.indirect.gather [hbm4b:s4+s15], $0x40, s22, s15, $0xb8;
	[tilespmem:$0x16400] =	vst v63  }
0x77: {  	_ =	swait.ge [sflag:s26], $0x2000  }
0x78: {  	s25 =	rddreg [dreg:$0x6];
	[sflag:s26] =	ssyncset.done $0x0  }
0x79: {  	[sflag:s26] =	ssyncadd.s32 $0xFFFFE000;
	s2 =	sadd.s32 s18, s25  }
0x7a: {  	[hbm4b:s2+s28] =	stream.strided.scatter [tilespmem:s21], [sflag:$0xB], $0x2000, s29, s28, $0x38;
	[tilespmem:$0x16400] =	vst v63  }
0x7b: {  	_ =	swait.ge [sflag:s14], $0x2000  }
0x7c: {  	[sflag:s14] =	ssyncset.done $0x0  }
0x7d: {  	s0 =	simm.s32 $0x1;
	s26 =	simm.s32 $0x780;
	[sflag:s14] =	ssyncadd.s32 $0xFFFFE000  }
0x7e: {  	[tilespmem:s23], [sflag:$0x8] =	stream.indirect.gather [hbm4b:s4+s15], $0x40, s26, s15, $0xb8;
	[tilespmem:$0x16400] =	vst v63  }
0x7f: {  	s17 =	simm.s32 $0x1000;
	s20 =	simm.s32 $0x2;
	_ =	swait.ge [sflag:s1], $0x2000  }
0x80: {  	s2 =	sadd.s32 $0x40, s18;
	s31 =	rddreg [dreg:$0x7];
	[sflag:s1] =	ssyncset.done $0x0  }
0x81: {  	[sflag:s1] =	ssyncadd.s32 $0xFFFFE000;
	s5 =	sadd.s32 s18, s31;
	s1 =	simm.s32 $0x4  }
.LBB2_2:
0x82: {  	s31 =	simm.s32 $0xC400;
	s16 =	simm.s32 $0x9  }
0x83: {  	[hbm4b:s5+s28] =	stream.strided.scatter [tilespmem:s31], [sflag:$0xC], $0x2000, s29, s28, $0x38;
	[tilespmem:$0x16400] =	vst v63  }
0x84: {  	s22 =	smov.u32 s17;
	_ =	swait.ge [sflag:s16], $0x2000  }
0x85: {  	s5 =	sshra.s32 s22, $0x2;
	[sflag:s16] =	ssyncset.done $0x0  }
0x86: {  	s23 =	simm.s32 $0x5;
	s18 =	sadd.s32 $0x400, s5;
	[sflag:s16] =	ssyncadd.s32 $0xFFFFE000  }
0x87: {  	[tilespmem:s19], [sflag:$0x1] =	stream.indirect.gather [hbm4b:s4+s15], $0x40, s18, s15, $0xb8;
	[tilespmem:$0x16400] =	vst v63  }
0x88: {  	_ =	swait.ge [sflag:s23], $0x2000  }
0x89: {  	s24 =	rddreg [dreg:$0x3]  }
0x8a: {  	[sflag:s23] =	ssyncset.done $0x0;
	s18 =	sadd.s32 s2, s24  }
0x8b: {  	s16 =	simm.s32 $0xE400;
	[sflag:s23] =	ssyncadd.s32 $0xFFFFE000;
	s25 =	sadd.s32 $0x20, s18  }
0x8c: {  	[hbm4b:s25+s28] =	stream.strided.scatter [tilespmem:s16], [sflag:$0xD], $0x2000, s29, s28, $0x38;
	[tilespmem:$0x16400] =	vst v63  }
0x8d: {  	_ =	swait.ge [sflag:s3], $0x2000  }
0x8e: {  	[sflag:s3] =	ssyncset.done $0x0  }
0x8f: {  	s22 =	simm.s32 $0x8400;
	s26 =	sadd.s32 $0x480, s5;
	[sflag:s3] =	ssyncadd.s32 $0xFFFFE000  }
0x90: {  	[tilespmem:s22], [sflag:$0x2] =	stream.indirect.gather [hbm4b:s4+s15], $0x40, s26, s15, $0xb8;
	[tilespmem:$0x16400] =	vst v63  }
0x91: {  	_ =	swait.ge [sflag:s6], $0x2000  }
0x92: {  	[sflag:s6] =	ssyncset.done $0x0  }
0x93: {  	s24 =	simm.s32 $0x10400;
	s21 =	sadd.s32 $0x28, s18;
	[sflag:s6] =	ssyncadd.s32 $0xFFFFE000  }
0x94: {  	[hbm4b:s21+s28] =	stream.strided.scatter [tilespmem:s24], [sflag:$0xE], $0x2000, s29, s28, $0x38;
	[tilespmem:$0x16400] =	vst v63  }
0x95: {  	_ =	swait.ge [sflag:s7], $0x2000  }
0x96: {  	[sflag:s7] =	ssyncset.done $0x0  }
0x97: {  	s23 =	sadd.s32 $0x500, s5;
	s26 =	simm.s32 $0xA400;
	[sflag:s7] =	ssyncadd.s32 $0xFFFFE000  }
0x98: {  	[tilespmem:s26], [sflag:$0x3] =	stream.indirect.gather [hbm4b:s4+s15], $0x40, s23, s15, $0xb8;
	[tilespmem:$0x16400] =	vst v63  }
0x99: {  	_ =	swait.ge [sflag:s8], $0x2000  }
0x9a: {  	[sflag:s8] =	ssyncset.done $0x0  }
0x9b: {  	s25 =	sadd.s32 $0x30, s18;
	s23 =	simm.s32 $0x12400;
	[sflag:s8] =	ssyncadd.s32 $0xFFFFE000  }
0x9c: {  	[hbm4b:s25+s28] =	stream.strided.scatter [tilespmem:s23], [sflag:$0xF], $0x2000, s29, s28, $0x38;
	[tilespmem:$0x16400] =	vst v63  }
0x9d: {  	_ =	swait.ge [sflag:s9], $0x2000  }
0x9e: {  	[sflag:s9] =	ssyncset.done $0x0  }
0x9f: {  	s21 =	sadd.s32 $0x580, s5;
	[sflag:s9] =	ssyncadd.s32 $0xFFFFE000  }
0xa0: {  	[tilespmem:s31], [sflag:$0x4] =	stream.indirect.gather [hbm4b:s4+s15], $0x40, s21, s15, $0xb8;
	[tilespmem:$0x16400] =	vst v63  }
0xa1: {  	_ =	swait.ge [sflag:s10], $0x2000  }
0xa2: {  	[sflag:s10] =	ssyncset.done $0x0  }
0xa3: {  	s18 =	sadd.s32 $0x38, s18;
	s21 =	simm.s32 $0x14400;
	[sflag:s10] =	ssyncadd.s32 $0xFFFFE000  }
0xa4: {  	[hbm4b:s18+s28] =	stream.strided.scatter [tilespmem:s21], [sflag:$0x10], $0x2000, s29, s28, $0x38;
	[tilespmem:$0x16400] =	vst v63  }
0xa5: {  	_ =	swait.ge [sflag:s11], $0x2000  }
0xa6: {  	[sflag:s11] =	ssyncset.done $0x0  }
0xa7: {  	s18 =	sadd.s32 $0x600, s5;
	[sflag:s11] =	ssyncadd.s32 $0xFFFFE000  }
0xa8: {  	[tilespmem:s16], [sflag:$0x5] =	stream.indirect.gather [hbm4b:s4+s15], $0x40, s18, s15, $0xb8;
	[tilespmem:$0x16400] =	vst v63  }
0xa9: {  	_ =	swait.ge [sflag:s0], $0x2000  }
0xaa: {  	s16 =	rddreg [dreg:$0x4];
	[sflag:s0] =	ssyncset.done $0x0  }
0xab: {  	s19 =	simm.s32 $0x6400;
	[sflag:s0] =	ssyncadd.s32 $0xFFFFE000;
	s18 =	sadd.s32 s2, s16  }
0xac: {  	[hbm4b:s18+s28] =	stream.strided.scatter [tilespmem:s19], [sflag:$0x9], $0x2000, s29, s28, $0x38;
	[tilespmem:$0x16400] =	vst v63  }
0xad: {  	_ =	swait.ge [sflag:s12], $0x2000  }
0xae: {  	[sflag:s12] =	ssyncset.done $0x0  }
0xaf: {  	s18 =	sadd.s32 $0x680, s5;
	[sflag:s12] =	ssyncadd.s32 $0xFFFFE000  }
0xb0: {  	[tilespmem:s24], [sflag:$0x6] =	stream.indirect.gather [hbm4b:s4+s15], $0x40, s18, s15, $0xb8;
	[tilespmem:$0x16400] =	vst v63  }
0xb1: {  	_ =	swait.ge [sflag:s20], $0x2000  }
0xb2: {  	s24 =	rddreg [dreg:$0x5];
	[sflag:s20] =	ssyncset.done $0x0  }
0xb3: {  	[sflag:s20] =	ssyncadd.s32 $0xFFFFE000;
	s18 =	sadd.s32 s2, s24  }
0xb4: {  	[hbm4b:s18+s28] =	stream.strided.scatter [tilespmem:s22], [sflag:$0xA], $0x2000, s29, s28, $0x38;
	[tilespmem:$0x16400] =	vst v63  }
0xb5: {  	_ =	swait.ge [sflag:s13], $0x2000  }
0xb6: {  	[sflag:s13] =	ssyncset.done $0x0  }
0xb7: {  	s22 =	sadd.s32 $0x700, s5;
	[sflag:s13] =	ssyncadd.s32 $0xFFFFE000  }
0xb8: {  	[tilespmem:s23], [sflag:$0x7] =	stream.indirect.gather [hbm4b:s4+s15], $0x40, s22, s15, $0xb8;
	[tilespmem:$0x16400] =	vst v63  }
0xb9: {  	_ =	swait.ge [sflag:s30], $0x2000  }
0xba: {  	s23 =	rddreg [dreg:$0x6];
	[sflag:s30] =	ssyncset.done $0x0  }
0xbb: {  	[sflag:s30] =	ssyncadd.s32 $0xFFFFE000;
	s18 =	sadd.s32 s2, s23  }
0xbc: {  	[hbm4b:s18+s28] =	stream.strided.scatter [tilespmem:s26], [sflag:$0xB], $0x2000, s29, s28, $0x38;
	[tilespmem:$0x16400] =	vst v63  }
0xbd: {  	p0 =	sne.s32 s17, $0x17000;
	s17 =	sadd.s32 $0x1000, s17;
	_ =	swait.ge [sflag:s14], $0x2000  }
0xbe: {  	s25 =	simm.s32 $0xC400;
	s31 =	simm.s32 $0xE400;
	[sflag:s14] =	ssyncset.done $0x0  }
.Ltmp0:
0xbf: {  	s5 =	sadd.s32 $0x780, s5;
	[sflag:s14] =	ssyncadd.s32 $0xFFFFE000;
	(pc) =	sbr.rel @p0 .LBB2_2-.Ltmp0, $4  }
0xc0: {  	[tilespmem:s21], [sflag:$0x8] =	stream.indirect.gather [hbm4b:s4+s15], $0x40, s5, s15, $0xb8;
	[tilespmem:$0x16400] =	vst v63  }
0xc1: {  	s16 =	simm.s32 $0x10400;
	s24 =	simm.s32 $0x12400;
	_ =	swait.ge [sflag:s1], $0x2000  }
0xc2: {  	s18 =	simm.s32 $0x14400;
	[sflag:s1] =	ssyncset.done $0x0;
	s26 =	rddreg [dreg:$0x7]  }
0xc3: {  	[sflag:s1] =	ssyncadd.s32 $0xFFFFE000;
	s5 =	sadd.s32 s2, s26;
	s2 =	sadd.s32 $0x40, s2  }
0xc4: {  	[hbm4b:s5+s28] =	stream.strided.scatter [tilespmem:s25], [sflag:$0xC], $0x2000, s29, s28, $0x38;
	[tilespmem:$0x16400] =	vst v63  }
0xc5: {  	s0 =	simm.s32 $0x5  }
0xc6: {  	_ =	swait.ge [sflag:s0], $0x2000  }
0xc7: {  	[sflag:s0] =	ssyncset.done $0x0  }
0xc8: {  	s2 =	rddreg [dreg:$0xd];
	[sflag:s0] =	ssyncadd.s32 $0xFFFFE000  }
0xc9: {  	[hbm4b:s2+s28] =	stream.strided.scatter [tilespmem:s31], [sflag:$0xD], $0x2000, s29, s28, $0x38;
	[tilespmem:$0x16400] =	vst v63  }
0xca: {  	_ =	swait.ge [sflag:s6], $0x2000  }
0xcb: {  	[sflag:s6] =	ssyncset.done $0x0  }
0xcc: {  	s22 =	rddreg [dreg:$0xe];
	[sflag:s6] =	ssyncadd.s32 $0xFFFFE000  }
0xcd: {  	[hbm4b:s22+s28] =	stream.strided.scatter [tilespmem:s16], [sflag:$0xE], $0x2000, s29, s28, $0x38;
	[tilespmem:$0x16400] =	vst v63  }
0xce: {  	_ =	swait.ge [sflag:s8], $0x2000  }
0xcf: {  	[sflag:s8] =	ssyncset.done $0x0  }
0xd0: {  	s23 =	rddreg [dreg:$0xf];
	[sflag:s8] =	ssyncadd.s32 $0xFFFFE000  }
0xd1: {  	[hbm4b:s23+s28] =	stream.strided.scatter [tilespmem:s24], [sflag:$0xF], $0x2000, s29, s28, $0x38;
	[tilespmem:$0x16400] =	vst v63  }
0xd2: {  	_ =	swait.ge [sflag:s10], $0x2000  }
0xd3: {  	[sflag:s10] =	ssyncset.done $0x0  }
0xd4: {  	s25 =	simm.s32 $0x9;
	s24 =	rddreg [dreg:$0x10];
	[sflag:s10] =	ssyncadd.s32 $0xFFFFE000  }
0xd5: {  	[hbm4b:s24+s28] =	stream.strided.scatter [tilespmem:s18], [sflag:$0x10], $0x2000, s29, s28, $0x38;
	[tilespmem:$0x16400] =	vst v63  }
0xd6: {  	_ =	swait.ge [sflag:s25], $0x2000  }
0xd7: {  	[sflag:s25] =	ssyncset.done $0x0  }
0xd8: {  	[sflag:s25] =	ssyncadd.s32 $0xFFFFE000  }
0xd9: {  	_ =	swait.ge [sflag:s3], $0x2000  }
0xda: {  	[sflag:s3] =	ssyncset.done $0x0  }
0xdb: {  	[sflag:s3] =	ssyncadd.s32 $0xFFFFE000  }
0xdc: {  	_ =	swait.ge [sflag:s7], $0x2000  }
0xdd: {  	[sflag:s7] =	ssyncset.done $0x0  }
0xde: {  	[sflag:s7] =	ssyncadd.s32 $0xFFFFE000  }
0xdf: {  	_ =	swait.ge [sflag:s9], $0x2000  }
0xe0: {  	[sflag:s9] =	ssyncset.done $0x0  }
0xe1: {  	[sflag:s9] =	ssyncadd.s32 $0xFFFFE000  }
0xe2: {  	_ =	swait.ge [sflag:s11], $0x2000  }
0xe3: {  	[sflag:s11] =	ssyncset.done $0x0  }
0xe4: {  	[sflag:s11] =	ssyncadd.s32 $0xFFFFE000  }
0xe5: {  	_ =	swait.ge [sflag:s12], $0x2000  }
0xe6: {  	[sflag:s12] =	ssyncset.done $0x0  }
0xe7: {  	[sflag:s12] =	ssyncadd.s32 $0xFFFFE000  }
0xe8: {  	_ =	swait.ge [sflag:s13], $0x2000  }
0xe9: {  	[sflag:s13] =	ssyncset.done $0x0  }
0xea: {  	[sflag:s13] =	ssyncadd.s32 $0xFFFFE000  }
0xeb: {  	_ =	swait.ge [sflag:s14], $0x2000  }
0xec: {  	s26 =	rddreg [dreg:$0x12]  }
0xed: {  	s31 =	rddreg [dreg:$0x11];
	s5 =	sadd.s32 $0x1, s26  }
0xee: {  	p0 =	sne.s32 s5, s31  }
.Ltmp1:
0xef: {  	_ = 	snop;
	(pc) =	sbr.rel @p0 .LBB2_1-.Ltmp1, $4  }
0xf0: {  	_ = 	snop  }
0xf1: {  	s21 =	simm.s32 $0xA400;
	s20 =	simm.s32 $0x2  }
0xf2: {  	s1 =	simm.s32 $0x4;
	s0 =	simm.s32 $0x1;
	[sflag:s14] =	ssyncset.done $0x0  }
0xf3: {  	s18 =	simm.s32 $0x8400;
	[sflag:s14] =	ssyncadd.s32 $0xFFFFE000;
	s26 =	simm.s32 $0x3  }
0xf4: {  	_ =	sfence.sel $0x180000  }
0xf5: {  	[bflag:$0x0] =	sbarrier.arrive $0xFFFF  }
0xf6: {  	_ =	strace $0x90000047  }
0xf7: {  	s0 =	stileid.u32;
	[bflag:$0x2] =	sbarrier.arrive $0xFFFF  }
0xf8: {  	p0 =	sne.s32 s0, $0x0;
	s0 =	rddreg [dreg:$0x2]  }
0xf9: {  	s0 =	sadd.s32 @!p0 $0x100000, s0  }
0xfa: {  	[sflag:s0] =	ssyncadd.tile.s32 @!p0 $0x1;
	_ =	shalt  }
.Lfunc_end2:
_tile_overlayer_lowered:
.L_overlay_start_2:
0xfb: {  	(tag) =	ssettag $0x2  }
0xfc: {  	s0 =	rddreg [dreg:$0x0];
	s2 =	stileid.u32  }
0xfd: {  	s1 =	rddreg [dreg:$0x1];
	p0 =	sne.s32 s2, $0x0  }
0xfe: {  	s3 =	rddreg [dreg:$0x2];
	[bflag:$0x3] =	sbarrier.arrive $0xFFFF;
	s2 =	simm.s32 @!p0 $0x1C11  }
0xff: {  	[timem:s3], [sflag:s2] =	dma.local @!p0 [hbm:s0], s1  }
0x100: {  	s0 =	simm.s32 @!p0 $0x11  }
0x101: {  	_ =	swait.ge @!p0 [sflag:s0], s1  }
0x102: {  	s1 =	ssub.s32 @!p0 $0x0, s1;
	[sflag:s0] =	ssyncset.done @!p0 $0x0  }
0x103: {  	[sflag:s0] =	ssyncadd.s32 @!p0 s1  }
0x104: {  	[bflag:$0x3] =	sbarrier.arrive $0xFFFF  }
0x105: {  	_ =	shalt  }

// kernel: sparse-core-data-format-call.cloned.1.call-start
scs
called_computation_lowered:
.L_overlay_start_0:
0x0: {  	s2 =	sld [smem:$0x3FD9]  }
0x1: {  	s3 =	sld [smem:$0x3FFE];
	_ =	sdelay $0x1  }
0x2: {  	s1 =	srdreg.scid  }
0x3: {  	s0 =	sand.u32 $0x1, s1  }
0x4: {  	s18 =	sshll.u32 s0, $0xA;
	s2 =	sadd.s32 s3, s2  }
0x5: {  	s2 =	sadd.s32 s2, s18  }
0x6: {  	[smem:$0x3FC6] =	sst s2  }
0x7: {  	_ = 	snop  }
0x8: {  	s2 =	sld [smem:$0x3FD0];
	(tm) =	ssettm $0x1  }
0x9: {  	s19 =	sld [smem:$0x3FFB];
	_ =	sdelay $0x3  }
0xa: {  	_ =	strace s19  }
0xb: {  	s3 =	sld [smem:$0x3FFC];
	_ =	sdelay $0x3  }
0xc: {  	_ =	strace s3  }
0xd: {  	s3 =	sld [smem:$0x3FFD];
	_ =	sdelay $0x3  }
0xe: {  	_ =	strace s3  }
0xf: {  	_ =	strace $0x8FFFFFFF  }
0x10: {  	s20 =	sld [smem:$0x3FDB];
	_ =	sdelay $0x1  }
0x11: {  	s4 =	simm.s32 $_scs_section_size  }
0x12: {  	s5 =	simm.s32 $_size__tile_overlayer_lowered;
	s6 =	simm.s32 $_tile_overlayer_lowered  }
0x13: {  	s23 =	simm.s32 $0x1BFF;
	s22 =	sshll.u32 s6, $0x1;
	s3 =	sadd.s32 s4, s20  }
0x14: {  	s7 =	simm.s32 $0x0;
	s21 =	sshll.u32 s5, $0x1;
	s5 =	sadd.s32 s22, s3  }
0x15: {  	[timem:s7], [sflag:s23] =	dma.local [hbm:s5], s21  }
0x16: {  	_ =	swait.ge [sflag:s23], s21  }
0x17: {  	s4 =	ssub.s32 $0x0, s21;
	[sflag:s23] =	ssyncset.done $0x0  }
0x18: {  	[sflag:s23] =	ssyncadd.s32 s4;
	_ =	sdelay $0x1  }
0x19: {  	s24 =	simm.s32 $0x1B8B  }
0x1a: {  	_ =	swait.ge [sflag:s24], $0x1  }
0x1b: {  	[sflag:s24] =	ssyncset.done $0x0  }
0x1c: {  	s26 =	simm.s32 $0x1B8E;
	s25 =	sld [smem:$0x3FFE];
	[sflag:s24] =	ssyncadd.s32 $0xFFFFFFFF  }
0x1d: {  	s27 =	simm.s32 $execute0_lowered;
	[smem:$0x3FD2] =	sst s26  }
0x1e: {  	s5 =	sshll.u32 s27, $0x1;
	_ =	strace $0x80000049;
	[dreg:$0x1] =	wrdreg $0xFFFFFFFF  }
0x1f: {  	s28 =	simm.s32 $_size_execute0_lowered;
	s3 =	sadd.s32 s3, s5;
	[dreg:$0x0] =	wrdreg $0x0  }
0x20: {  	s5 =	sshll.u32 s28, $0x1;
	[dreg:$0x2] =	wrdreg s3  }
0x21: {  	[dreg:$0x3] =	wrdreg s5  }
0x22: {  	[dreg:$0x4] =	wrdreg $0xC0  }
0x23: {  	_ =	task [dreg:s7], $0x5FFFF  }
0x24: {  	[dreg:$0x1] =	wrdreg $0xFFFFFFFF  }
0x25: {  	[dreg:$0x0] =	wrdreg $0x60  }
0x26: {  	[dreg:$0x2] =	wrdreg s25  }
0x27: {  	[dreg:$0x3] =	wrdreg s2  }
0x28: {  	[dreg:$0x4] =	wrdreg $0x9  }
0x29: {  	_ =	task.clear_ibuf [dreg:s7], $0x5FFFF;
	_ =	strace $0x90000049  }
0x2a: {  	s29 =	simm.s32 $0x9;
	_ =	strace $0x8000004B  }
0x2b: {  	_ =	swait.ge [sflag:s29], $0x1  }
0x2c: {  	[sflag:s29] =	ssyncadd.s32 $0xFFFFFFFF  }
0x2d: {  	_ =	strace $0x9000004B  }
0x2e: {  	_ =	sfence  }
0x2f: {  	s30 =	sld [smem:$0x0];
	_ =	sdelay $0x2  }
0x30: {  	s31 =	sshll.u32 s1, $0xD;
	s1 =	sshrl.u32 s1, $0x2  }
0x31: {  	s3 =	sand.u32 $0x4000, s31;
	s1 =	sadd.s32 s1, s30  }
0x32: {  	s0 =	sor.u32 s3, s0;
	s1 =	sshll.u32 s1, $0x11  }
0x33: {  	s0 =	sor.u32 s1, s0  }
0x34: {  	s0 =	sadd.s32 $0x8F2B, s0  }
0x35: {  	[sflag:s0] =	ssyncadd.remote.s32 $0x1  }
0x36: {  	_ =	sfence.sel $0xFFFF  }
0x37: {  	[dreg:$0x0] =	wrdreg $0xFFFFFFFF;
	(pc) =	sbr.abs _section_cstart, $3  }
0x38: {  	[dreg:$0x1] =	wrdreg $0xFFFFFFFF  }
0x39: {  	_ =	task.clear_ibuf [dreg:s7], $0x2FFFF;
	_ =	strace $0x9FFFFFFF  }
0x3a: {  	(tm) =	ssettm $0x7FFFFFFF  }
0x3b: {  	_ =	shalt  }
tec
execute0_lowered:
.L_overlay_start_1:
0x0: {  	(tag) =	ssettag $0x1  }
0x1: {  	s0 =	srdreg.scid  }
0x2: {  	s1 =	sshll.u32 s0, $0x4  }
0x3: {  	s0 =	stileid.u32;
	s1 =	sand.u32 $0x10, s1  }
0x4: {  	s1 =	sor.u32 s0, s1  }
0x5: {  	s6 =	rddreg [dreg:$0x0];
	s4 =	simm.s32 $0x1;
	s2 =	sshll.u32 s1, $0x7  }
0x6: {  	s7 =	simm.s32 $0x2;
	s12 =	simm.s32 $0x0;
	s1 =	ssub.s32 $0x1000, s2  }
0x7: {  	s8 =	simm.s32 $0x8000;
	s13 =	simm.s32 $0x0;
	s3 =	sand.u32 $0xF80, s1  }
0x8: {  	s9 =	simm.s32 $0x0;
	s5 =	sshrl.u32 s1, $0xC;
	p0 =	sne.s32 s3, $0x0  }
.Ltmp0:
0x9: {  	s1 =	rddreg [dreg:$0x2];
	s4 =	simm.s32 @!p0 $0x0;
	(pc) =	sbr.rel .LBB1_1-.Ltmp0, $4  }
0xa: {  	s11 =	simm.s32 $0x0;
	s3 =	rddreg [dreg:$0x1];
	s5 =	sadd.s32 s4, s5  }
0xb: {  	_ =	strace $0x8000004A;
	s4 =	simm.s32 $0x1;
	s5 =	smul.u32 $0xC8, s5  }
0xc: {  	s6 =	sadd.s32 $0xA00, s6;
	s10 =	smov.u32 s2;
	[sflag:s4] =	ssyncpa.u1 $0x0  }
0xd: {  	p0 =	por $0x0, $0x0;
	[sflag:s7] =	ssyncpa.u1 $0x0;
	s7 =	sor.u32 $0x1, s5  }
.LBB1_4:
0xe: {  	s16 =	sshll.u32 s13, $0x3;
	s17 =	sand.u32 $0x78, s13  }
0xf: {  	s30 =	sand.u32 $0x7E00, s13;
	s12 =	sshll.u32 s12, $0xF;
	s16 =	sand.u32 $0xC00, s16  }
0x10: {  	[tilespmem:s15+$0x810 ss:$0x81] =	vst.msk $0xffff, v2;
	s31 =	sand.u32 $0x7, s13;
	s16 =	sor.u32 s17, s16;
	s17 =	sadd.s32 s3, s30  }
0x11: {  	[tilespmem:s15+$0x1020 ss:$0x81] =	vst.msk $0xffff, v0;
	s13 =	sshll.u32 s31, $0x12;
	s12 =	sadd.s32 s12, s17;
	s16 =	sshrl.u32 s16, $0x3  }
0x12: {  	[tilespmem:s15+$0x0 ss:$0x81] =	vst.msk $0xffff, v1;
	s13 =	sor.u32 $0x400, s13;
	s12 =	sadd.s32 s16, s12  }
0x13: {  	[hbm4b:s12+s13] =	stream.strided.scatter [tilespmem:s14], [sflag:$0x2], $0x2000, s8, s13, $0x20;
	[tilespmem:$0x8080] =	vst v63  }
.LBB1_5:
0x14: {  	s14 =	sadd.s32 $0x1, s9  }
0x15: {  	s12 =	sadd.s32 $0x1000, s10;
	s16 =	smov.u32 s10;
	p2 =	sgt.s32 s14, $0xC7  }
0x16: {  	s16 =	smov.u32 @p2 s12  }
0x17: {  	s14 =	simm.s32 @p2 $0x0;
	p2 =	sgt.s32 s16, $0xFFF  }
0x18: {  	s16 =	smov.u32 @p2 s2;
	p2 =	sne.s32 s11, s7  }
.Ltmp1:
0x19: {  	p1 =	slt.u32 s11, $0x2;
	(pc) =	sbr.rel @!p2 .LBB1_6-.Ltmp1, $4  }
0x1a: {  	s15 =	simm.s32 @!p1 $0x2  }
0x1b: {  	s13 =	smov.u32 s10;
	p0 =	por !p0, !p0;
	_ =	swait.ge @!p1 [sflag:s15], $0x2000  }
0x1c: {  	s12 =	smov.u32 s9;
	[sflag:s15] =	ssyncset.done @!p1 $0x0;
	s9 =	smov.u32 s14  }
0x1d: {  	s11 =	sadd.s32 $0x1, s11;
	[sflag:s15] =	ssyncadd.s32 @!p1 $0xFFFFE000;
	s10 =	smov.u32 s16  }
.LBB1_1:
0x1e: {  	p1 =	sge.u32 s11, s5  }
0x1f: {  	s14 =	sand.u32 @!p1 $0x1FFFFFF, s9  }
0x20: {  	s15 =	smulhi.u32 @!p1 $0x147AE15, s14;
	_ =	sdelay $0x1  }
0x21: {  	s15 =	smul.u32 @!p1 $0xC8, s15  }
0x22: {  	s16 =	sxor.u32 @!p1 $0xFFFFFFFF, s11;
	s17 =	smul.u32 @!p1 $0xC80, s10  }
0x23: {  	s31 =	sadd.s32 $0xFFFFFFFF, s11;
	s16 =	sshll.u32 @!p1 s16, $0xD;
	s14 =	ssub.s32 @!p1 s14, s15  }
0x24: {  	s15 =	sand.u32 @!p1 $0x2000, s16;
	s16 =	sadd.s32 @!p1 s6, s17;
	s14 =	sshll.u32 @!p1 s14, $0x4  }
0x25: {  	s17 =	simm.s32 @!p1 $0x6400;
	s14 =	sadd.s32 @!p1 s14, s16;
	s16 =	simm.s32 @!p1 $0x40  }
0x26: {  	[tilespmem:s15], [sflag:$0x1] =	stream.strided.gather @!p1 [hbm4b:s14+s16], $0x2000, s17, s16, $0x38;
	[tilespmem:$0x8080] =	vst v63  }
0x27: {  	p1 =	sge.u32 s31, s5  }
.Ltmp2:
0x28: {  	_ = 	snop;
	(pc) =	sbr.rel @p1 .LBB1_5-.Ltmp2, $1  }
0x29: {  	_ =	sdelay $0x3  }
0x2a: {  	s14 =	simm.s32 $0x1  }
0x2b: {  	_ =	swait.ge [sflag:s4], $0x2000;
	s14 =	simm.s32 @!p0 $0x0  }
0x2c: {  	[sflag:s4] =	ssyncset.done $0x0;
	s15 =	sshll.u32 s14, $0xD  }
0x2d: {  	[sflag:s4] =	ssyncadd.s32 $0xFFFFE000;
	s18 =	sor.u32 $0x20, s15  }
0x2e: {  	s14 =	smul.u32 $0x8100, s14;
	v3 =	vld [tilespmem:s18+$0x10]  }
0x2f: {  	s30 =	sand.u32 $0x1, s11;
	v2 =	vld [tilespmem:s18+$0xFFFFFFF0]  }
0x30: {  	s15 =	smul.u32 $0x8100, s30;
	s14 =	sshrl.u32 s14, $0x2;
	v0 =	vld [tilespmem:s18+$0x0]  }
0x31: {  	v1 =	vld [tilespmem:s18+$0xFFFFFFE0];
	s16 =	sor.u32 $0x4000, s14  }
0x32: {  	s31 =	sshrl.u32 s15, $0x2;
	s15 =	sadd.s32 $0x0, s16  }
0x33: {  	s17 =	simm.s32 $0x4;
	s18 =	sadd.s32 $0x40, s18;
	s14 =	sor.u32 $0x4000, s31;
	[tilespmem:s15+$0x1830 ss:$0x81] =	vst.msk $0xffff, v3  }
.LBB1_3:
0x34: {  	v3 =	vld [tilespmem:s18+$0x10];
	p1 =	sne.s32 s17, $0x1FC;
	[tilespmem:s15+$0x810 ss:$0x81] =	vst.msk $0xffff, v2;
	s19 =	smov.u32 s17;
	s17 =	sadd.s32 $0x4, s17  }
.Ltmp3:
0x35: {  	v2 =	vld [tilespmem:s18+$0xFFFFFFF0];
	[tilespmem:s15+$0x1020 ss:$0x81] =	vst.msk $0xffff, v0;
	(pc) =	sbr.rel @p1 .LBB1_3-.Ltmp3, $4  }
0x36: {  	v0 =	vld [tilespmem:s18+$0x0];
	[tilespmem:s15+$0x0 ss:$0x81] =	vst.msk $0xffff, v1  }
0x37: {  	s15 =	sshra.s32 s19, $0x2;
	v1 =	vld [tilespmem:s18+$0xFFFFFFE0]  }
0x38: {  	s15 =	sadd.s32 s15, s16  }
0x39: {  	s18 =	sadd.s32 $0x40, s18;
	[tilespmem:s15+$0x1830 ss:$0x81] =	vst.msk $0xffff, v3  }
.Ltmp4:
0x3a: {  	_ = 	snop;
	(pc) =	sbr.rel .LBB1_4-.Ltmp4, $1  }
0x3b: {  	_ =	sdelay $0x3  }
.LBB1_6:
0x3c: {  	_ =	sfence.sel $0x180000  }
0x3d: {  	s2 =	simm.s32 $0x1;
	[bflag:$0x0] =	sbarrier.arrive $0xFFFF  }
0x3e: {  	s31 =	simm.s32 $0x2;
	[sflag:s2] =	ssyncpa.u1 $0x1  }
0x3f: {  	[sflag:s31] =	ssyncpa.u1 $0x1  }
0x40: {  	p0 =	sne.s32 s0, $0x0;
	_ =	strace $0x9000004A  }
0x41: {  	s0 =	sadd.s32 @!p0 $0x100000, s1;
	[bflag:$0x2] =	sbarrier.arrive $0xFFFF  }
0x42: {  	[sflag:s0] =	ssyncadd.tile.s32 @!p0 $0x1;
	_ =	shalt  }
.Lfunc_end1:
_tile_overlayer_lowered:
.L_overlay_start_2:
0x43: {  	(tag) =	ssettag $0x2  }
0x44: {  	s0 =	rddreg [dreg:$0x0];
	s2 =	stileid.u32  }
0x45: {  	s1 =	rddreg [dreg:$0x1];
	p0 =	sne.s32 s2, $0x0  }
0x46: {  	s3 =	rddreg [dreg:$0x2];
	[bflag:$0x3] =	sbarrier.arrive $0xFFFF;
	s2 =	simm.s32 @!p0 $0x1C01  }
0x47: {  	[timem:s3], [sflag:s2] =	dma.local @!p0 [hbm:s0], s1  }
0x48: {  	s0 =	simm.s32 @!p0 $0x1  }
0x49: {  	_ =	swait.ge @!p0 [sflag:s0], s1  }
0x4a: {  	s1 =	ssub.s32 @!p0 $0x0, s1;
	[sflag:s0] =	ssyncset.done @!p0 $0x0  }
0x4b: {  	[sflag:s0] =	ssyncadd.s32 @!p0 s1  }
0x4c: {  	[bflag:$0x3] =	sbarrier.arrive $0xFFFF  }
0x4d: {  	_ =	shalt  }

</sc_bundles>
